<compile_context>
chip_gen: v7x
topology: tpu7x:2x2x1
jax: 0.10.2.dev20260603
libtpu: 0.0.44.dev20260713+nightly
codegen_flags: <defaults>
</compile_context>

<pallas_src>
import functools

import jax
import jax.numpy as jnp
from jax import lax
from jax.experimental import pallas as pl
from jax.experimental.pallas import tpu as pltpu
from jax.experimental.pallas import tpu_sc as plsc

NC = 2
NS = 16
NW = NC * NS

_SC_PARAMS = pltpu.CompilerParams(use_tc_tiling_on_sc=False)


def _round_up(v, m):
    return ((v + m - 1) // m) * m



def _make_deg_kernel(n_pad, E, win):
    rows_per_tile = n_pad // NS
    mesh = plsc.VectorSubcoreMesh(core_axis_name="c", subcore_axis_name="s")

    @functools.partial(
        pl.kernel,
        out_type=jax.ShapeDtypeStruct((NC * n_pad, 8), jnp.float32),
        mesh=mesh,
        scratch_types=[
            pltpu.VMEM((win, 8), jnp.float32),
            pltpu.VMEM_SHARED((n_pad, 8), jnp.float32),
        ],
        compiler_params=_SC_PARAMS,
    )
    def deg_kernel(dst_h, ones_h, zeros_h, out_h, ones_v, acc):
        cid = lax.axis_index("c")
        sid = lax.axis_index("s")
        t0 = sid * rows_per_tile
        pltpu.sync_copy(zeros_h.at[pl.ds(t0, rows_per_tile)],
                        acc.at[pl.ds(t0, rows_per_tile)])
        pltpu.sync_copy(ones_h, ones_v)
        plsc.subcore_barrier()

        def body(dst_blk):
            pltpu.sync_copy(ones_v, acc.at[dst_blk.at[0]], add=True)

        pltpu.emit_pipeline(
            body,
            grid=(E // win,),
            in_specs=[pl.BlockSpec((1, win), lambda i: (0, i))],
            out_specs=[],
            core_axis_name=("c", "s"),
            dimension_semantics=(pltpu.PARALLEL,),
        )(dst_h)

        plsc.subcore_barrier()
        pltpu.sync_copy(acc.at[pl.ds(t0, rows_per_tile)],
                        out_h.at[pl.ds(cid * n_pad + t0, rows_per_tile)])

    return deg_kernel


def _make_gs_kernel(n_pad, E, win, F):
    rows_per_tile = n_pad // NS
    cells = E // win
    cells_pw = cells // NW
    mesh = plsc.VectorSubcoreMesh(core_axis_name="c", subcore_axis_name="s")

    @functools.partial(
        pl.kernel,
        out_type=jax.ShapeDtypeStruct((NC * n_pad, F), jnp.float32),
        mesh=mesh,
        scratch_types=[
            pltpu.VMEM((win, F), jnp.float32),
            pltpu.VMEM((win, F), jnp.float32),
            pltpu.VMEM((1, win), jnp.int32),
            pltpu.VMEM((1, win), jnp.int32),
            pltpu.VMEM((1, win), jnp.int32),
            pltpu.VMEM((1, win), jnp.int32),
            pltpu.VMEM_SHARED((n_pad, F), jnp.float32),
            pltpu.SemaphoreType.DMA,
            pltpu.SemaphoreType.DMA,
            pltpu.SemaphoreType.DMA,
            pltpu.SemaphoreType.DMA,
        ],
        compiler_params=_SC_PARAMS,
    )
    def gs_kernel(table_h, src_h, dst_h, zeros_h, out_h,
                  rows0, rows1, s0, d0, s1, d1, acc, is0, is1, g0, g1):
        cid = lax.axis_index("c")
        sid = lax.axis_index("s")
        t0 = sid * rows_per_tile
        pltpu.sync_copy(zeros_h.at[pl.ds(t0, rows_per_tile)],
                        acc.at[pl.ds(t0, rows_per_tile)])
        plsc.subcore_barrier()

        wid = cid * NS + sid
        base = wid * cells_pw
        bufs = ((s0, d0, rows0, is0, g0), (s1, d1, rows1, is1, g1))

        def stage(c, b):
            sv, dv, rv, isem, gsem = bufs[b]
            pltpu.make_async_copy(
                src_h.at[pl.ds(0, 1), pl.ds(c * win, win)], sv, isem).start()
            pltpu.make_async_copy(
                dst_h.at[pl.ds(0, 1), pl.ds(c * win, win)], dv, isem).start()
            pltpu.make_async_copy(
                src_h.at[pl.ds(0, 1), pl.ds(c * win, win)], sv, isem).wait()
            pltpu.make_async_copy(
                dst_h.at[pl.ds(0, 1), pl.ds(c * win, win)], dv, isem).wait()
            pltpu.make_async_copy(table_h.at[sv.at[0]], rv, gsem).start()

        def finish(c, b):
            sv, dv, rv, isem, gsem = bufs[b]
            pltpu.make_async_copy(table_h.at[sv.at[0]], rv, gsem).wait()
            pltpu.sync_copy(rv, acc.at[dv.at[0]], add=True)

        stage(base + 0, 0)
        stage(base + 1, 1)

        @pl.loop(0, (cells_pw - 2) // 2)
        def _(jj):
            c = base + 2 * jj
            finish(c, 0)
            stage(c + 2, 0)
            finish(c + 1, 1)
            stage(c + 3, 1)

        finish(base + cells_pw - 2, 0)
        finish(base + cells_pw - 1, 1)

        plsc.subcore_barrier()
        pltpu.sync_copy(acc.at[pl.ds(t0, rows_per_tile)],
                        out_h.at[pl.ds(cid * n_pad + t0, rows_per_tile)])

    return gs_kernel



def _tc1_body(d0_ref, d1_ref, x_ref, m4_ref, t_ref, dinv_ref):
    deg = d0_ref[...] + d1_ref[...] + 1.0
    dinv = lax.rsqrt(deg)
    dinv_ref[...] = dinv
    t_ref[...] = (x_ref[...] + m4_ref[...]) * dinv


def _tc2_body(a0_ref, a1_ref, t_ref, dinv_ref, BW1_ref, b1_ref, BW2_ref,
              pp_ref):
    dinv = dinv_ref[...]
    tt = (a0_ref[...] + a1_ref[...] + t_ref[...]) * dinv
    out1 = jnp.dot(tt, BW1_ref[...],
                   preferred_element_type=jnp.float32) + b1_ref[...]
    h2 = jnp.maximum(out1, 0.0)
    pp_ref[...] = jnp.dot(h2, BW2_ref[...],
                          preferred_element_type=jnp.float32) * dinv


def _tc3_body(a0_ref, a1_ref, pp_ref, dinv_ref, b2_ref, y_ref):
    o = (a0_ref[...] + a1_ref[...] + pp_ref[...]) * dinv_ref[...] + b2_ref[...]
    lane = lax.broadcasted_iota(jnp.int32, o.shape, 1) % 8
    partner = jnp.where(lane == 0,
                        pltpu.roll(o, 127, 1),
                        pltpu.roll(o, 1, 1))
    mx = jnp.maximum(o, partner)
    lse = mx + jnp.log(jnp.exp(o - mx) + jnp.exp(partner - mx))
    y_ref[...] = o - lse


def _blk(rows, cols, off=0):
    return pl.BlockSpec((rows, cols), lambda j, o=off: (j + o, 0))


def _full_spec(shape):
    return pl.BlockSpec(shape, lambda j: tuple(0 for _ in shape))



def kernel(x, edge_index, W1, b1, W2, b2):
    N = x.shape[0]
    E = edge_index.shape[1]
    n_pad = _round_up(N, 128)
    assert n_pad % NS == 0 and (n_pad // NS) % 8 == 0

    win = 4000
    while E % win != 0 or win % 8 != 0:
        win -= 8
    win_gs = 2000
    while E % (NW * 2 * win_gs) != 0 or win_gs % 16 != 0:
        win_gs -= 16

    k16 = n_pad // 16
    bk = 368
    while k16 % bk != 0 or bk % 8 != 0:
        bk -= 8
    grid = (k16 // bk,)
    nb = k16 // bk

    edge_index = edge_index.astype(jnp.int32)
    src = edge_index[0:1]
    dst = edge_index[1:2]
    x = x.astype(jnp.float32)
    W1 = W1.astype(jnp.float32)
    W2 = W2.astype(jnp.float32)
    b1 = b1.astype(jnp.float32)
    b2 = b2.astype(jnp.float32)

    zeros8 = jnp.zeros((n_pad // 16, 128), jnp.float32).reshape(n_pad, 8)
    ones_c = jnp.ones((win // 16, 128), jnp.float32).reshape(win, 8)

    x8i = jnp.pad(x, ((0, n_pad - N), (0, 4))).reshape(k16, 128)
    m4 = jnp.tile(jnp.array([0, 0, 0, 0, 1, 0, 0, 0], jnp.float32),
                  16).reshape(1, 128)
    BW1 = jnp.kron(jnp.eye(16, dtype=jnp.float32),
                   jnp.pad(W1, ((0, 4), (0, 0))))
    BW2 = jnp.kron(jnp.eye(16, dtype=jnp.float32),
                   jnp.pad(W2, ((0, 0), (0, 6))))
    b1t = jnp.tile(b1, 16).reshape(1, 256)
    b2t = jnp.tile(jnp.pad(b2, (0, 6)), 16).reshape(1, 128)

    deg_k = _make_deg_kernel(n_pad, E, win)
    degp = deg_k(dst, ones_c, zeros8)
    degp = degp.reshape(2 * k16, 128)

    t128, dinv8 = pl.pallas_call(
        _tc1_body,
        grid=grid,
        in_specs=[_blk(bk, 128), _blk(bk, 128, nb), _blk(bk, 128),
                  _full_spec((1, 128))],
        out_specs=[_blk(bk, 128), _blk(bk, 128)],
        out_shape=[jax.ShapeDtypeStruct((k16, 128), jnp.float32),
                   jax.ShapeDtypeStruct((k16, 128), jnp.float32)],
    )(degp, degp, x8i, m4)

    gs8 = _make_gs_kernel(n_pad, E, win_gs, 8)
    acc1 = gs8(t128.reshape(n_pad, 8), src, dst, zeros8)
    acc1 = acc1.reshape(2 * k16, 128)

    pp = pl.pallas_call(
        _tc2_body,
        grid=grid,
        in_specs=[_blk(bk, 128), _blk(bk, 128, nb), _blk(bk, 128),
                  _blk(bk, 128), _full_spec((128, 256)), _full_spec((1, 256)),
                  _full_spec((256, 128))],
        out_specs=[_blk(bk, 128)],
        out_shape=[jax.ShapeDtypeStruct((k16, 128), jnp.float32)],
    )(acc1, acc1, t128, dinv8, BW1, b1t, BW2)[0]

    acc2 = gs8(pp.reshape(n_pad, 8), src, dst, zeros8)
    acc2 = acc2.reshape(2 * k16, 128)

    y128 = pl.pallas_call(
        _tc3_body,
        grid=grid,
        in_specs=[_blk(bk, 128), _blk(bk, 128, nb), _blk(bk, 128),
                  _blk(bk, 128), _full_spec((1, 128))],
        out_specs=[_blk(bk, 128)],
        out_shape=[jax.ShapeDtypeStruct((k16, 128), jnp.float32)],
    )(acc2, acc2, pp, dinv8, b2t)[0]

    return y128.reshape(n_pad, 8)[:N, :2]

# --- scband reference (transcript-rebuilt; emitter-appended) ---
"""Pipeline reference for scband-gnnmodel-17600775979858 (READ-ONLY COPY).

The authoritative reference and input builder live on the scoring server;
editing this copy changes nothing except your own understanding.
"""

import jax, jax.numpy as jnp
import numpy as np

N = 100000
E = 3200000

def setup_inputs(seed: int = 0) -> dict:
    key = jax.random.key(seed)
    k1, k2, k3, k4, k5, k6 = jax.random.split(key, 6)
    x = jax.random.normal(k1, (N, 4), dtype=jnp.float32)
    edge_index = jax.random.randint(k2, (2, E), 0, N)
    # GCNConv(4, 16) and GCNConv(16, 2) parameters (glorot-style scaling)
    W1 = jax.random.normal(k3, (4, 16), dtype=jnp.float32) * (1.0 / np.sqrt(4))
    b1 = jnp.zeros((16,), dtype=jnp.float32)
    W2 = jax.random.normal(k4, (16, 2), dtype=jnp.float32) * (1.0 / np.sqrt(16))
    b2 = jnp.zeros((2,), dtype=jnp.float32)
    return {"x": x, "edge_index": edge_index, "W1": W1, "b1": b1, "W2": W2, "b2": b2}


def _gcn_conv(x, src, dst, W, b, n_nodes):
    # PyG GCNConv: linear transform, add self-loops, symmetric normalization, sum-aggregate
    h = x @ W
    deg = jax.ops.segment_sum(jnp.ones_like(dst, dtype=h.dtype), dst, num_segments=n_nodes)
    dinv = jnp.where(deg > 0, 1.0 / jnp.sqrt(deg), 0.0)
    norm = dinv[src] * dinv[dst]
    msgs = h[src] * norm[:, None]
    out = jax.ops.segment_sum(msgs, dst, num_segments=n_nodes)
    return out + b


def reference(x, edge_index, W1, b1, W2, b2):
    n_nodes = x.shape[0]
    loop = jnp.arange(n_nodes, dtype=edge_index.dtype)
    src = jnp.concatenate([edge_index[0], loop])
    dst = jnp.concatenate([edge_index[1], loop])
    h = jax.nn.relu(_gcn_conv(x, src, dst, W1, b1, n_nodes))
    h = _gcn_conv(h, src, dst, W2, b2, n_nodes)
    return jax.nn.log_softmax(h, axis=1)

if __name__ == "__main__":
    import jax
    _d = setup_inputs()
    print(jax.jit(kernel)(*tuple(_d.values())))

</pallas_src>

<mosaic_0001>
#map = affine_map<(d0, d1) -> (0, 0)>
module attributes {stable_mosaic.version = 14 : i64} {
  func.func @gs_kernel(%arg0: i32, %arg1: i32, %arg2: memref<100096x8xf32, #tpu.memory_space<hbm>>, %arg3: memref<1x3200000xi32, #tpu.memory_space<hbm>>, %arg4: memref<1x3200000xi32, #tpu.memory_space<hbm>>, %arg5: memref<100096x8xf32, #tpu.memory_space<hbm>>, %arg6: memref<200192x8xf32, #tpu.memory_space<hbm>>, %arg7: memref<2000x8xf32, #tpu.memory_space<vmem>>, %arg8: memref<2000x8xf32, #tpu.memory_space<vmem>>, %arg9: memref<1x2000xi32, #tpu.memory_space<vmem>>, %arg10: memref<1x2000xi32, #tpu.memory_space<vmem>>, %arg11: memref<1x2000xi32, #tpu.memory_space<vmem>>, %arg12: memref<1x2000xi32, #tpu.memory_space<vmem>>, %arg13: memref<100096x8xf32, #tpu.memory_space<vmem_shared>>, %arg14: memref<!tpu.dma_semaphore, #tpu.memory_space<semaphore_mem>>, %arg15: memref<!tpu.dma_semaphore, #tpu.memory_space<semaphore_mem>>, %arg16: memref<!tpu.dma_semaphore, #tpu.memory_space<semaphore_mem>>, %arg17: memref<!tpu.dma_semaphore, #tpu.memory_space<semaphore_mem>>) attributes {dimension_semantics = [#tpu.dimension_semantics<core_parallel>, #tpu.dimension_semantics<subcore_parallel>], iteration_bounds = array<i64: 2, 16>, scalar_prefetch = 0 : i64, scratch_operands = 11 : i64, tpu.core_type = #tpu.core_type<sc_vector_subcore>, window_params = [{transform_indices = #map}, {transform_indices = #map}, {transform_indices = #map}, {transform_indices = #map}, {transform_indices = #map}]} {
    %mul3A = arith.constant 6256 : i32
    %mul3A_0 = arith.muli %arg1, %mul3A : i32
    "tpu.region"() ({
      %run_scoped3A_99 = tpu.sem_alloc : memref<!tpu.dma_semaphore, #tpu.memory_space<semaphore_mem>>
      %dma_start3A_100 = arith.constant 0 : i32
      %dma_start3A_101 = tpu.memref_slice %arg13[%mul3A_0, %dma_start3A_100] : memref<100096x8xf32, #tpu.memory_space<vmem_shared>> -> memref<6256x8xf32, #tpu.memory_space<vmem_shared>>
      %dma_start3A_102 = arith.constant 0 : i32
      %dma_start3A_103 = tpu.memref_slice %arg5[%mul3A_0, %dma_start3A_102] : memref<100096x8xf32, #tpu.memory_space<hbm>> -> memref<6256x8xf32, #tpu.memory_space<hbm>>
      tpu.enqueue_dma source(%dma_start3A_103 : memref<6256x8xf32, #tpu.memory_space<hbm>>) target(%dma_start3A_101 : memref<6256x8xf32, #tpu.memory_space<vmem_shared>>) target_semaphore(%run_scoped3A_99 : memref<!tpu.dma_semaphore, #tpu.memory_space<semaphore_mem>>)
      %dma_wait3A_104 = arith.constant 0 : i32
      %dma_wait3A_105 = tpu.memref_slice %arg13[%mul3A_0, %dma_wait3A_104] : memref<100096x8xf32, #tpu.memory_space<vmem_shared>> -> memref<6256x8xf32, #tpu.memory_space<vmem_shared>>
      %dma_wait3A_106 = arith.constant 0 : i32
      %dma_wait3A_107 = tpu.memref_slice %arg5[%mul3A_0, %dma_wait3A_106] : memref<100096x8xf32, #tpu.memory_space<hbm>> -> memref<6256x8xf32, #tpu.memory_space<hbm>>
      tpu.wait_dma2 semaphore(%run_scoped3A_99 : memref<!tpu.dma_semaphore, #tpu.memory_space<semaphore_mem>>) src(%dma_wait3A_107 : memref<6256x8xf32, #tpu.memory_space<hbm>>) dst(%dma_wait3A_105 : memref<6256x8xf32, #tpu.memory_space<vmem_shared>>)
      tpu.yield
    }) : () -> ()
    %barrier3A = arith.constant 0 : index
    tpu.barrier barrier_id(%barrier3A)
    %mul3A_1 = arith.constant 16 : i32
    %mul3A_2 = arith.muli %arg0, %mul3A_1 : i32
    %add3A = arith.addi %mul3A_2, %arg1 : i32
    %mul3A_3 = arith.constant 50 : i32
    %mul3A_4 = arith.muli %add3A, %mul3A_3 : i32
    %add3A_5 = arith.constant 0 : i32
    %add3A_6 = arith.addi %mul3A_4, %add3A_5 : i32
    %mul3A_7 = arith.constant 2000 : i32
    %mul3A_8 = arith.muli %add3A_6, %mul3A_7 : i32
    %dma_start3A = arith.constant 0 : i32
    %dma_start3A_9 = tpu.memref_slice %arg3[%dma_start3A, %mul3A_8] : memref<1x3200000xi32, #tpu.memory_space<hbm>> -> memref<1x2000xi32, #tpu.memory_space<hbm>>
    %dma_start3A_10 = arith.constant 0 : i32
    %dma_start3A_11 = tpu.memref_slice %arg3[%dma_start3A_10, %mul3A_8] : memref<1x3200000xi32, #tpu.memory_space<hbm>> -> memref<1x2000xi32, #tpu.memory_space<hbm>>
    tpu.enqueue_dma source(%dma_start3A_11 : memref<1x2000xi32, #tpu.memory_space<hbm>>) target(%arg9 : memref<1x2000xi32, #tpu.memory_space<vmem>>) target_semaphore(%arg14 : memref<!tpu.dma_semaphore, #tpu.memory_space<semaphore_mem>>)
    %mul3A_12 = arith.constant 2000 : i32
    %mul3A_13 = arith.muli %add3A_6, %mul3A_12 : i32
    %dma_start3A_14 = arith.constant 0 : i32
    %dma_start3A_15 = tpu.memref_slice %arg4[%dma_start3A_14, %mul3A_13] : memref<1x3200000xi32, #tpu.memory_space<hbm>> -> memref<1x2000xi32, #tpu.memory_space<hbm>>
    %dma_start3A_16 = arith.constant 0 : i32
    %dma_start3A_17 = tpu.memref_slice %arg4[%dma_start3A_16, %mul3A_13] : memref<1x3200000xi32, #tpu.memory_space<hbm>> -> memref<1x2000xi32, #tpu.memory_space<hbm>>
    tpu.enqueue_dma source(%dma_start3A_17 : memref<1x2000xi32, #tpu.memory_space<hbm>>) target(%arg10 : memref<1x2000xi32, #tpu.memory_space<vmem>>) target_semaphore(%arg14 : memref<!tpu.dma_semaphore, #tpu.memory_space<semaphore_mem>>)
    %mul3A_18 = arith.constant 2000 : i32
    %mul3A_19 = arith.muli %add3A_6, %mul3A_18 : i32
    %dma_wait3A = arith.constant 0 : i32
    %dma_wait3A_20 = tpu.memref_slice %arg3[%dma_wait3A, %mul3A_19] : memref<1x3200000xi32, #tpu.memory_space<hbm>> -> memref<1x2000xi32, #tpu.memory_space<hbm>>
    %dma_wait3A_21 = arith.constant 0 : i32
    %dma_wait3A_22 = tpu.memref_slice %arg3[%dma_wait3A_21, %mul3A_19] : memref<1x3200000xi32, #tpu.memory_space<hbm>> -> memref<1x2000xi32, #tpu.memory_space<hbm>>
    tpu.wait_dma2 semaphore(%arg14 : memref<!tpu.dma_semaphore, #tpu.memory_space<semaphore_mem>>) src(%dma_wait3A_22 : memref<1x2000xi32, #tpu.memory_space<hbm>>) dst(%arg9 : memref<1x2000xi32, #tpu.memory_space<vmem>>)
    %mul3A_23 = arith.constant 2000 : i32
    %mul3A_24 = arith.muli %add3A_6, %mul3A_23 : i32
    %dma_wait3A_25 = arith.constant 0 : i32
    %dma_wait3A_26 = tpu.memref_slice %arg4[%dma_wait3A_25, %mul3A_24] : memref<1x3200000xi32, #tpu.memory_space<hbm>> -> memref<1x2000xi32, #tpu.memory_space<hbm>>
    %dma_wait3A_27 = arith.constant 0 : i32
    %dma_wait3A_28 = tpu.memref_slice %arg4[%dma_wait3A_27, %mul3A_24] : memref<1x3200000xi32, #tpu.memory_space<hbm>> -> memref<1x2000xi32, #tpu.memory_space<hbm>>
    tpu.wait_dma2 semaphore(%arg14 : memref<!tpu.dma_semaphore, #tpu.memory_space<semaphore_mem>>) src(%dma_wait3A_28 : memref<1x2000xi32, #tpu.memory_space<hbm>>) dst(%arg10 : memref<1x2000xi32, #tpu.memory_space<vmem>>)
    %dma_start3A_29 = arith.constant 0 : i32
    %dma_start3A_30 = arith.constant 0 : i32
    %dma_start3A_31 = tpu.memref_slice %arg9[%dma_start3A_29, %dma_start3A_30] : memref<1x2000xi32, #tpu.memory_space<vmem>> -> memref<1x2000xi32, #tpu.memory_space<vmem>>
    %dma_start3A_32 = tpu.memref_squeeze %dma_start3A_31 : memref<1x2000xi32, #tpu.memory_space<vmem>> -> memref<2000xi32, #tpu.memory_space<vmem>>
    %dma_start3A_33 = arith.constant 0 : i32
    %dma_start3A_34 = arith.constant 0 : i32
    %dma_start3A_35 = tpu.memref_slice %arg2[%dma_start3A_33, %dma_start3A_34] : memref<100096x8xf32, #tpu.memory_space<hbm>> -> memref<100096x8xf32, #tpu.memory_space<hbm>>
    tpu.enqueue_indirect_dma source(%dma_start3A_35 : memref<100096x8xf32, #tpu.memory_space<hbm>>) target(%arg7 : memref<2000x8xf32, #tpu.memory_space<vmem>>) offsets(%dma_start3A_32 : memref<2000xi32, #tpu.memory_space<vmem>>) semaphore(%arg16 : memref<!tpu.dma_semaphore, #tpu.memory_space<semaphore_mem>>)
    %add3A_36 = arith.constant 1 : i32
    %add3A_37 = arith.addi %mul3A_4, %add3A_36 : i32
    %mul3A_38 = arith.constant 2000 : i32
    %mul3A_39 = arith.muli %add3A_37, %mul3A_38 : i32
    %dma_start3A_40 = arith.constant 0 : i32
    %dma_start3A_41 = tpu.memref_slice %arg3[%dma_start3A_40, %mul3A_39] : memref<1x3200000xi32, #tpu.memory_space<hbm>> -> memref<1x2000xi32, #tpu.memory_space<hbm>>
    %dma_start3A_42 = arith.constant 0 : i32
    %dma_start3A_43 = tpu.memref_slice %arg3[%dma_start3A_42, %mul3A_39] : memref<1x3200000xi32, #tpu.memory_space<hbm>> -> memref<1x2000xi32, #tpu.memory_space<hbm>>
    tpu.enqueue_dma source(%dma_start3A_43 : memref<1x2000xi32, #tpu.memory_space<hbm>>) target(%arg11 : memref<1x2000xi32, #tpu.memory_space<vmem>>) target_semaphore(%arg15 : memref<!tpu.dma_semaphore, #tpu.memory_space<semaphore_mem>>)
    %mul3A_44 = arith.constant 2000 : i32
    %mul3A_45 = arith.muli %add3A_37, %mul3A_44 : i32
    %dma_start3A_46 = arith.constant 0 : i32
    %dma_start3A_47 = tpu.memref_slice %arg4[%dma_start3A_46, %mul3A_45] : memref<1x3200000xi32, #tpu.memory_space<hbm>> -> memref<1x2000xi32, #tpu.memory_space<hbm>>
    %dma_start3A_48 = arith.constant 0 : i32
    %dma_start3A_49 = tpu.memref_slice %arg4[%dma_start3A_48, %mul3A_45] : memref<1x3200000xi32, #tpu.memory_space<hbm>> -> memref<1x2000xi32, #tpu.memory_space<hbm>>
    tpu.enqueue_dma source(%dma_start3A_49 : memref<1x2000xi32, #tpu.memory_space<hbm>>) target(%arg12 : memref<1x2000xi32, #tpu.memory_space<vmem>>) target_semaphore(%arg15 : memref<!tpu.dma_semaphore, #tpu.memory_space<semaphore_mem>>)
    %mul3A_50 = arith.constant 2000 : i32
    %mul3A_51 = arith.muli %add3A_37, %mul3A_50 : i32
    %dma_wait3A_52 = arith.constant 0 : i32
    %dma_wait3A_53 = tpu.memref_slice %arg3[%dma_wait3A_52, %mul3A_51] : memref<1x3200000xi32, #tpu.memory_space<hbm>> -> memref<1x2000xi32, #tpu.memory_space<hbm>>
    %dma_wait3A_54 = arith.constant 0 : i32
    %dma_wait3A_55 = tpu.memref_slice %arg3[%dma_wait3A_54, %mul3A_51] : memref<1x3200000xi32, #tpu.memory_space<hbm>> -> memref<1x2000xi32, #tpu.memory_space<hbm>>
    tpu.wait_dma2 semaphore(%arg15 : memref<!tpu.dma_semaphore, #tpu.memory_space<semaphore_mem>>) src(%dma_wait3A_55 : memref<1x2000xi32, #tpu.memory_space<hbm>>) dst(%arg11 : memref<1x2000xi32, #tpu.memory_space<vmem>>)
    %mul3A_56 = arith.constant 2000 : i32
    %mul3A_57 = arith.muli %add3A_37, %mul3A_56 : i32
    %dma_wait3A_58 = arith.constant 0 : i32
    %dma_wait3A_59 = tpu.memref_slice %arg4[%dma_wait3A_58, %mul3A_57] : memref<1x3200000xi32, #tpu.memory_space<hbm>> -> memref<1x2000xi32, #tpu.memory_space<hbm>>
    %dma_wait3A_60 = arith.constant 0 : i32
    %dma_wait3A_61 = tpu.memref_slice %arg4[%dma_wait3A_60, %mul3A_57] : memref<1x3200000xi32, #tpu.memory_space<hbm>> -> memref<1x2000xi32, #tpu.memory_space<hbm>>
    tpu.wait_dma2 semaphore(%arg15 : memref<!tpu.dma_semaphore, #tpu.memory_space<semaphore_mem>>) src(%dma_wait3A_61 : memref<1x2000xi32, #tpu.memory_space<hbm>>) dst(%arg12 : memref<1x2000xi32, #tpu.memory_space<vmem>>)
    %dma_start3A_62 = arith.constant 0 : i32
    %dma_start3A_63 = arith.constant 0 : i32
    %dma_start3A_64 = tpu.memref_slice %arg11[%dma_start3A_62, %dma_start3A_63] : memref<1x2000xi32, #tpu.memory_space<vmem>> -> memref<1x2000xi32, #tpu.memory_space<vmem>>
    %dma_start3A_65 = tpu.memref_squeeze %dma_start3A_64 : memref<1x2000xi32, #tpu.memory_space<vmem>> -> memref<2000xi32, #tpu.memory_space<vmem>>
    %dma_start3A_66 = arith.constant 0 : i32
    %dma_start3A_67 = arith.constant 0 : i32
    %dma_start3A_68 = tpu.memref_slice %arg2[%dma_start3A_66, %dma_start3A_67] : memref<100096x8xf32, #tpu.memory_space<hbm>> -> memref<100096x8xf32, #tpu.memory_space<hbm>>
    tpu.enqueue_indirect_dma source(%dma_start3A_68 : memref<100096x8xf32, #tpu.memory_space<hbm>>) target(%arg8 : memref<2000x8xf32, #tpu.memory_space<vmem>>) offsets(%dma_start3A_65 : memref<2000xi32, #tpu.memory_space<vmem>>) semaphore(%arg17 : memref<!tpu.dma_semaphore, #tpu.memory_space<semaphore_mem>>)
    %scan3A = arith.constant 0 : i32
    %scan3A_69 = arith.constant 24 : i32
    %scan3A_70 = arith.addi %scan3A, %scan3A_69 : i32
    %scan3A_71 = arith.constant 1 : i32
    scf.for %scan3A_99 = %scan3A to %scan3A_70 step %scan3A_71  : i32 {
      %mul3A_100 = arith.constant 1 : i32
      %mul3A_101 = arith.muli %scan3A_99, %mul3A_100 : i32
      %add3A_102 = arith.constant 0 : i32
      %add3A_103 = arith.addi %add3A_102, %mul3A_101 : i32
      %mul3A_104 = arith.constant 2 : i32
      %mul3A_105 = arith.muli %mul3A_104, %add3A_103 : i32
      %add3A_106 = arith.addi %mul3A_4, %mul3A_105 : i32
      %dma_wait3A_107 = arith.constant 0 : i32
      %dma_wait3A_108 = arith.constant 0 : i32
      %dma_wait3A_109 = tpu.memref_slice %arg9[%dma_wait3A_107, %dma_wait3A_108] : memref<1x2000xi32, #tpu.memory_space<vmem>> -> memref<1x2000xi32, #tpu.memory_space<vmem>>
      %dma_wait3A_110 = tpu.memref_squeeze %dma_wait3A_109 : memref<1x2000xi32, #tpu.memory_space<vmem>> -> memref<2000xi32, #tpu.memory_space<vmem>>
      %dma_wait3A_111 = arith.constant 0 : i32
      %dma_wait3A_112 = arith.constant 0 : i32
      %dma_wait3A_113 = tpu.memref_slice %arg2[%dma_wait3A_111, %dma_wait3A_112] : memref<100096x8xf32, #tpu.memory_space<hbm>> -> memref<100096x8xf32, #tpu.memory_space<hbm>>
      tpu.wait_indirect_dma semaphore(%arg16 : memref<!tpu.dma_semaphore, #tpu.memory_space<semaphore_mem>>) src(%dma_wait3A_113 : memref<100096x8xf32, #tpu.memory_space<hbm>>) dst(%arg7 : memref<2000x8xf32, #tpu.memory_space<vmem>>)
      %run_scoped3A_114 = arith.constant 0 : i32
      "tpu.region"() ({
        %run_scoped3A_191 = tpu.sem_alloc : memref<!tpu.dma_semaphore, #tpu.memory_space<semaphore_mem>>
        %dma_start3A_192 = arith.constant 0 : i32
        %dma_start3A_193 = tpu.memref_slice %arg10[%run_scoped3A_114, %dma_start3A_192] : memref<1x2000xi32, #tpu.memory_space<vmem>> -> memref<1x2000xi32, #tpu.memory_space<vmem>>
        %dma_start3A_194 = tpu.memref_squeeze %dma_start3A_193 : memref<1x2000xi32, #tpu.memory_space<vmem>> -> memref<2000xi32, #tpu.memory_space<vmem>>
        %dma_start3A_195 = arith.constant 0 : i32
        %dma_start3A_196 = arith.constant 0 : i32
        %dma_start3A_197 = tpu.memref_slice %arg13[%dma_start3A_195, %dma_start3A_196] : memref<100096x8xf32, #tpu.memory_space<vmem_shared>> -> memref<100096x8xf32, #tpu.memory_space<vmem_shared>>
        tpu.enqueue_indirect_dma source(%arg7 : memref<2000x8xf32, #tpu.memory_space<vmem>>) target(%dma_start3A_197 : memref<100096x8xf32, #tpu.memory_space<vmem_shared>>) offsets(%dma_start3A_194 : memref<2000xi32, #tpu.memory_space<vmem>>) semaphore(%run_scoped3A_191 : memref<!tpu.dma_semaphore, #tpu.memory_space<semaphore_mem>>) {add = true}
        %dma_wait3A_198 = arith.constant 0 : i32
        %dma_wait3A_199 = tpu.memref_slice %arg10[%run_scoped3A_114, %dma_wait3A_198] : memref<1x2000xi32, #tpu.memory_space<vmem>> -> memref<1x2000xi32, #tpu.memory_space<vmem>>
        %dma_wait3A_200 = tpu.memref_squeeze %dma_wait3A_199 : memref<1x2000xi32, #tpu.memory_space<vmem>> -> memref<2000xi32, #tpu.memory_space<vmem>>
        %dma_wait3A_201 = arith.constant 0 : i32
        %dma_wait3A_202 = arith.constant 0 : i32
        %dma_wait3A_203 = tpu.memref_slice %arg13[%dma_wait3A_201, %dma_wait3A_202] : memref<100096x8xf32, #tpu.memory_space<vmem_shared>> -> memref<100096x8xf32, #tpu.memory_space<vmem_shared>>
        tpu.wait_indirect_dma semaphore(%run_scoped3A_191 : memref<!tpu.dma_semaphore, #tpu.memory_space<semaphore_mem>>) src(%arg7 : memref<2000x8xf32, #tpu.memory_space<vmem>>) dst(%dma_wait3A_203 : memref<100096x8xf32, #tpu.memory_space<vmem_shared>>)
        tpu.yield
      }) : () -> ()
      %add3A_115 = arith.constant 2 : i32
      %add3A_116 = arith.addi %add3A_106, %add3A_115 : i32
      %mul3A_117 = arith.constant 2000 : i32
      %mul3A_118 = arith.muli %add3A_116, %mul3A_117 : i32
      %dma_start3A_119 = arith.constant 0 : i32
      %dma_start3A_120 = tpu.memref_slice %arg3[%dma_start3A_119, %mul3A_118] : memref<1x3200000xi32, #tpu.memory_space<hbm>> -> memref<1x2000xi32, #tpu.memory_space<hbm>>
      %dma_start3A_121 = arith.constant 0 : i32
      %dma_start3A_122 = tpu.memref_slice %arg3[%dma_start3A_121, %mul3A_118] : memref<1x3200000xi32, #tpu.memory_space<hbm>> -> memref<1x2000xi32, #tpu.memory_space<hbm>>
      tpu.enqueue_dma source(%dma_start3A_122 : memref<1x2000xi32, #tpu.memory_space<hbm>>) target(%arg9 : memref<1x2000xi32, #tpu.memory_space<vmem>>) target_semaphore(%arg14 : memref<!tpu.dma_semaphore, #tpu.memory_space<semaphore_mem>>)
      %mul3A_123 = arith.constant 2000 : i32
      %mul3A_124 = arith.muli %add3A_116, %mul3A_123 : i32
      %dma_start3A_125 = arith.constant 0 : i32
      %dma_start3A_126 = tpu.memref_slice %arg4[%dma_start3A_125, %mul3A_124] : memref<1x3200000xi32, #tpu.memory_space<hbm>> -> memref<1x2000xi32, #tpu.memory_space<hbm>>
      %dma_start3A_127 = arith.constant 0 : i32
      %dma_start3A_128 = tpu.memref_slice %arg4[%dma_start3A_127, %mul3A_124] : memref<1x3200000xi32, #tpu.memory_space<hbm>> -> memref<1x2000xi32, #tpu.memory_space<hbm>>
      tpu.enqueue_dma source(%dma_start3A_128 : memref<1x2000xi32, #tpu.memory_space<hbm>>) target(%arg10 : memref<1x2000xi32, #tpu.memory_space<vmem>>) target_semaphore(%arg14 : memref<!tpu.dma_semaphore, #tpu.memory_space<semaphore_mem>>)
      %mul3A_129 = arith.constant 2000 : i32
      %mul3A_130 = arith.muli %add3A_116, %mul3A_129 : i32
      %dma_wait3A_131 = arith.constant 0 : i32
      %dma_wait3A_132 = tpu.memref_slice %arg3[%dma_wait3A_131, %mul3A_130] : memref<1x3200000xi32, #tpu.memory_space<hbm>> -> memref<1x2000xi32, #tpu.memory_space<hbm>>
      %dma_wait3A_133 = arith.constant 0 : i32
      %dma_wait3A_134 = tpu.memref_slice %arg3[%dma_wait3A_133, %mul3A_130] : memref<1x3200000xi32, #tpu.memory_space<hbm>> -> memref<1x2000xi32, #tpu.memory_space<hbm>>
      tpu.wait_dma2 semaphore(%arg14 : memref<!tpu.dma_semaphore, #tpu.memory_space<semaphore_mem>>) src(%dma_wait3A_134 : memref<1x2000xi32, #tpu.memory_space<hbm>>) dst(%arg9 : memref<1x2000xi32, #tpu.memory_space<vmem>>)
      %mul3A_135 = arith.constant 2000 : i32
      %mul3A_136 = arith.muli %add3A_116, %mul3A_135 : i32
      %dma_wait3A_137 = arith.constant 0 : i32
      %dma_wait3A_138 = tpu.memref_slice %arg4[%dma_wait3A_137, %mul3A_136] : memref<1x3200000xi32, #tpu.memory_space<hbm>> -> memref<1x2000xi32, #tpu.memory_space<hbm>>
      %dma_wait3A_139 = arith.constant 0 : i32
      %dma_wait3A_140 = tpu.memref_slice %arg4[%dma_wait3A_139, %mul3A_136] : memref<1x3200000xi32, #tpu.memory_space<hbm>> -> memref<1x2000xi32, #tpu.memory_space<hbm>>
      tpu.wait_dma2 semaphore(%arg14 : memref<!tpu.dma_semaphore, #tpu.memory_space<semaphore_mem>>) src(%dma_wait3A_140 : memref<1x2000xi32, #tpu.memory_space<hbm>>) dst(%arg10 : memref<1x2000xi32, #tpu.memory_space<vmem>>)
      %dma_start3A_141 = arith.constant 0 : i32
      %dma_start3A_142 = arith.constant 0 : i32
      %dma_start3A_143 = tpu.memref_slice %arg9[%dma_start3A_141, %dma_start3A_142] : memref<1x2000xi32, #tpu.memory_space<vmem>> -> memref<1x2000xi32, #tpu.memory_space<vmem>>
      %dma_start3A_144 = tpu.memref_squeeze %dma_start3A_143 : memref<1x2000xi32, #tpu.memory_space<vmem>> -> memref<2000xi32, #tpu.memory_space<vmem>>
      %dma_start3A_145 = arith.constant 0 : i32
      %dma_start3A_146 = arith.constant 0 : i32
      %dma_start3A_147 = tpu.memref_slice %arg2[%dma_start3A_145, %dma_start3A_146] : memref<100096x8xf32, #tpu.memory_space<hbm>> -> memref<100096x8xf32, #tpu.memory_space<hbm>>
      tpu.enqueue_indirect_dma source(%dma_start3A_147 : memref<100096x8xf32, #tpu.memory_space<hbm>>) target(%arg7 : memref<2000x8xf32, #tpu.memory_space<vmem>>) offsets(%dma_start3A_144 : memref<2000xi32, #tpu.memory_space<vmem>>) semaphore(%arg16 : memref<!tpu.dma_semaphore, #tpu.memory_space<semaphore_mem>>)
      %add3A_148 = arith.constant 1 : i32
      %add3A_149 = arith.addi %add3A_106, %add3A_148 : i32
      %dma_wait3A_150 = arith.constant 0 : i32
      %dma_wait3A_151 = arith.constant 0 : i32
      %dma_wait3A_152 = tpu.memref_slice %arg11[%dma_wait3A_150, %dma_wait3A_151] : memref<1x2000xi32, #tpu.memory_space<vmem>> -> memref<1x2000xi32, #tpu.memory_space<vmem>>
      %dma_wait3A_153 = tpu.memref_squeeze %dma_wait3A_152 : memref<1x2000xi32, #tpu.memory_space<vmem>> -> memref<2000xi32, #tpu.memory_space<vmem>>
      %dma_wait3A_154 = arith.constant 0 : i32
      %dma_wait3A_155 = arith.constant 0 : i32
      %dma_wait3A_156 = tpu.memref_slice %arg2[%dma_wait3A_154, %dma_wait3A_155] : memref<100096x8xf32, #tpu.memory_space<hbm>> -> memref<100096x8xf32, #tpu.memory_space<hbm>>
      tpu.wait_indirect_dma semaphore(%arg17 : memref<!tpu.dma_semaphore, #tpu.memory_space<semaphore_mem>>) src(%dma_wait3A_156 : memref<100096x8xf32, #tpu.memory_space<hbm>>) dst(%arg8 : memref<2000x8xf32, #tpu.memory_space<vmem>>)
      %run_scoped3A_157 = arith.constant 0 : i32
      "tpu.region"() ({
        %run_scoped3A_191 = tpu.sem_alloc : memref<!tpu.dma_semaphore, #tpu.memory_space<semaphore_mem>>
        %dma_start3A_192 = arith.constant 0 : i32
        %dma_start3A_193 = tpu.memref_slice %arg12[%run_scoped3A_157, %dma_start3A_192] : memref<1x2000xi32, #tpu.memory_space<vmem>> -> memref<1x2000xi32, #tpu.memory_space<vmem>>
        %dma_start3A_194 = tpu.memref_squeeze %dma_start3A_193 : memref<1x2000xi32, #tpu.memory_space<vmem>> -> memref<2000xi32, #tpu.memory_space<vmem>>
        %dma_start3A_195 = arith.constant 0 : i32
        %dma_start3A_196 = arith.constant 0 : i32
        %dma_start3A_197 = tpu.memref_slice %arg13[%dma_start3A_195, %dma_start3A_196] : memref<100096x8xf32, #tpu.memory_space<vmem_shared>> -> memref<100096x8xf32, #tpu.memory_space<vmem_shared>>
        tpu.enqueue_indirect_dma source(%arg8 : memref<2000x8xf32, #tpu.memory_space<vmem>>) target(%dma_start3A_197 : memref<100096x8xf32, #tpu.memory_space<vmem_shared>>) offsets(%dma_start3A_194 : memref<2000xi32, #tpu.memory_space<vmem>>) semaphore(%run_scoped3A_191 : memref<!tpu.dma_semaphore, #tpu.memory_space<semaphore_mem>>) {add = true}
        %dma_wait3A_198 = arith.constant 0 : i32
        %dma_wait3A_199 = tpu.memref_slice %arg12[%run_scoped3A_157, %dma_wait3A_198] : memref<1x2000xi32, #tpu.memory_space<vmem>> -> memref<1x2000xi32, #tpu.memory_space<vmem>>
        %dma_wait3A_200 = tpu.memref_squeeze %dma_wait3A_199 : memref<1x2000xi32, #tpu.memory_space<vmem>> -> memref<2000xi32, #tpu.memory_space<vmem>>
        %dma_wait3A_201 = arith.constant 0 : i32
        %dma_wait3A_202 = arith.constant 0 : i32
        %dma_wait3A_203 = tpu.memref_slice %arg13[%dma_wait3A_201, %dma_wait3A_202] : memref<100096x8xf32, #tpu.memory_space<vmem_shared>> -> memref<100096x8xf32, #tpu.memory_space<vmem_shared>>
        tpu.wait_indirect_dma semaphore(%run_scoped3A_191 : memref<!tpu.dma_semaphore, #tpu.memory_space<semaphore_mem>>) src(%arg8 : memref<2000x8xf32, #tpu.memory_space<vmem>>) dst(%dma_wait3A_203 : memref<100096x8xf32, #tpu.memory_space<vmem_shared>>)
        tpu.yield
      }) : () -> ()
      %add3A_158 = arith.constant 3 : i32
      %add3A_159 = arith.addi %add3A_106, %add3A_158 : i32
      %mul3A_160 = arith.constant 2000 : i32
      %mul3A_161 = arith.muli %add3A_159, %mul3A_160 : i32
      %dma_start3A_162 = arith.constant 0 : i32
      %dma_start3A_163 = tpu.memref_slice %arg3[%dma_start3A_162, %mul3A_161] : memref<1x3200000xi32, #tpu.memory_space<hbm>> -> memref<1x2000xi32, #tpu.memory_space<hbm>>
      %dma_start3A_164 = arith.constant 0 : i32
      %dma_start3A_165 = tpu.memref_slice %arg3[%dma_start3A_164, %mul3A_161] : memref<1x3200000xi32, #tpu.memory_space<hbm>> -> memref<1x2000xi32, #tpu.memory_space<hbm>>
      tpu.enqueue_dma source(%dma_start3A_165 : memref<1x2000xi32, #tpu.memory_space<hbm>>) target(%arg11 : memref<1x2000xi32, #tpu.memory_space<vmem>>) target_semaphore(%arg15 : memref<!tpu.dma_semaphore, #tpu.memory_space<semaphore_mem>>)
      %mul3A_166 = arith.constant 2000 : i32
      %mul3A_167 = arith.muli %add3A_159, %mul3A_166 : i32
      %dma_start3A_168 = arith.constant 0 : i32
      %dma_start3A_169 = tpu.memref_slice %arg4[%dma_start3A_168, %mul3A_167] : memref<1x3200000xi32, #tpu.memory_space<hbm>> -> memref<1x2000xi32, #tpu.memory_space<hbm>>
      %dma_start3A_170 = arith.constant 0 : i32
      %dma_start3A_171 = tpu.memref_slice %arg4[%dma_start3A_170, %mul3A_167] : memref<1x3200000xi32, #tpu.memory_space<hbm>> -> memref<1x2000xi32, #tpu.memory_space<hbm>>
      tpu.enqueue_dma source(%dma_start3A_171 : memref<1x2000xi32, #tpu.memory_space<hbm>>) target(%arg12 : memref<1x2000xi32, #tpu.memory_space<vmem>>) target_semaphore(%arg15 : memref<!tpu.dma_semaphore, #tpu.memory_space<semaphore_mem>>)
      %mul3A_172 = arith.constant 2000 : i32
      %mul3A_173 = arith.muli %add3A_159, %mul3A_172 : i32
      %dma_wait3A_174 = arith.constant 0 : i32
      %dma_wait3A_175 = tpu.memref_slice %arg3[%dma_wait3A_174, %mul3A_173] : memref<1x3200000xi32, #tpu.memory_space<hbm>> -> memref<1x2000xi32, #tpu.memory_space<hbm>>
      %dma_wait3A_176 = arith.constant 0 : i32
      %dma_wait3A_177 = tpu.memref_slice %arg3[%dma_wait3A_176, %mul3A_173] : memref<1x3200000xi32, #tpu.memory_space<hbm>> -> memref<1x2000xi32, #tpu.memory_space<hbm>>
      tpu.wait_dma2 semaphore(%arg15 : memref<!tpu.dma_semaphore, #tpu.memory_space<semaphore_mem>>) src(%dma_wait3A_177 : memref<1x2000xi32, #tpu.memory_space<hbm>>) dst(%arg11 : memref<1x2000xi32, #tpu.memory_space<vmem>>)
      %mul3A_178 = arith.constant 2000 : i32
      %mul3A_179 = arith.muli %add3A_159, %mul3A_178 : i32
      %dma_wait3A_180 = arith.constant 0 : i32
      %dma_wait3A_181 = tpu.memref_slice %arg4[%dma_wait3A_180, %mul3A_179] : memref<1x3200000xi32, #tpu.memory_space<hbm>> -> memref<1x2000xi32, #tpu.memory_space<hbm>>
      %dma_wait3A_182 = arith.constant 0 : i32
      %dma_wait3A_183 = tpu.memref_slice %arg4[%dma_wait3A_182, %mul3A_179] : memref<1x3200000xi32, #tpu.memory_space<hbm>> -> memref<1x2000xi32, #tpu.memory_space<hbm>>
      tpu.wait_dma2 semaphore(%arg15 : memref<!tpu.dma_semaphore, #tpu.memory_space<semaphore_mem>>) src(%dma_wait3A_183 : memref<1x2000xi32, #tpu.memory_space<hbm>>) dst(%arg12 : memref<1x2000xi32, #tpu.memory_space<vmem>>)
      %dma_start3A_184 = arith.constant 0 : i32
      %dma_start3A_185 = arith.constant 0 : i32
      %dma_start3A_186 = tpu.memref_slice %arg11[%dma_start3A_184, %dma_start3A_185] : memref<1x2000xi32, #tpu.memory_space<vmem>> -> memref<1x2000xi32, #tpu.memory_space<vmem>>
      %dma_start3A_187 = tpu.memref_squeeze %dma_start3A_186 : memref<1x2000xi32, #tpu.memory_space<vmem>> -> memref<2000xi32, #tpu.memory_space<vmem>>
      %dma_start3A_188 = arith.constant 0 : i32
      %dma_start3A_189 = arith.constant 0 : i32
      %dma_start3A_190 = tpu.memref_slice %arg2[%dma_start3A_188, %dma_start3A_189] : memref<100096x8xf32, #tpu.memory_space<hbm>> -> memref<100096x8xf32, #tpu.memory_space<hbm>>
      tpu.enqueue_indirect_dma source(%dma_start3A_190 : memref<100096x8xf32, #tpu.memory_space<hbm>>) target(%arg8 : memref<2000x8xf32, #tpu.memory_space<vmem>>) offsets(%dma_start3A_187 : memref<2000xi32, #tpu.memory_space<vmem>>) semaphore(%arg17 : memref<!tpu.dma_semaphore, #tpu.memory_space<semaphore_mem>>)
    }
    %scan3A_72 = arith.constant 24 : i32
    %add3A_73 = arith.constant 50 : i32
    %add3A_74 = arith.addi %mul3A_4, %add3A_73 : i32
    %sub3A = arith.constant 2 : i32
    %sub3A_75 = arith.subi %add3A_74, %sub3A : i32
    %dma_wait3A_76 = arith.constant 0 : i32
    %dma_wait3A_77 = arith.constant 0 : i32
    %dma_wait3A_78 = tpu.memref_slice %arg9[%dma_wait3A_76, %dma_wait3A_77] : memref<1x2000xi32, #tpu.memory_space<vmem>> -> memref<1x2000xi32, #tpu.memory_space<vmem>>
    %dma_wait3A_79 = tpu.memref_squeeze %dma_wait3A_78 : memref<1x2000xi32, #tpu.memory_space<vmem>> -> memref<2000xi32, #tpu.memory_space<vmem>>
    %dma_wait3A_80 = arith.constant 0 : i32
    %dma_wait3A_81 = arith.constant 0 : i32
    %dma_wait3A_82 = tpu.memref_slice %arg2[%dma_wait3A_80, %dma_wait3A_81] : memref<100096x8xf32, #tpu.memory_space<hbm>> -> memref<100096x8xf32, #tpu.memory_space<hbm>>
    tpu.wait_indirect_dma semaphore(%arg16 : memref<!tpu.dma_semaphore, #tpu.memory_space<semaphore_mem>>) src(%dma_wait3A_82 : memref<100096x8xf32, #tpu.memory_space<hbm>>) dst(%arg7 : memref<2000x8xf32, #tpu.memory_space<vmem>>)
    %run_scoped3A = arith.constant 0 : i32
    "tpu.region"() ({
      %run_scoped3A_99 = tpu.sem_alloc : memref<!tpu.dma_semaphore, #tpu.memory_space<semaphore_mem>>
      %dma_start3A_100 = arith.constant 0 : i32
      %dma_start3A_101 = tpu.memref_slice %arg10[%run_scoped3A, %dma_start3A_100] : memref<1x2000xi32, #tpu.memory_space<vmem>> -> memref<1x2000xi32, #tpu.memory_space<vmem>>
      %dma_start3A_102 = tpu.memref_squeeze %dma_start3A_101 : memref<1x2000xi32, #tpu.memory_space<vmem>> -> memref<2000xi32, #tpu.memory_space<vmem>>
      %dma_start3A_103 = arith.constant 0 : i32
      %dma_start3A_104 = arith.constant 0 : i32
      %dma_start3A_105 = tpu.memref_slice %arg13[%dma_start3A_103, %dma_start3A_104] : memref<100096x8xf32, #tpu.memory_space<vmem_shared>> -> memref<100096x8xf32, #tpu.memory_space<vmem_shared>>
      tpu.enqueue_indirect_dma source(%arg7 : memref<2000x8xf32, #tpu.memory_space<vmem>>) target(%dma_start3A_105 : memref<100096x8xf32, #tpu.memory_space<vmem_shared>>) offsets(%dma_start3A_102 : memref<2000xi32, #tpu.memory_space<vmem>>) semaphore(%run_scoped3A_99 : memref<!tpu.dma_semaphore, #tpu.memory_space<semaphore_mem>>) {add = true}
      %dma_wait3A_106 = arith.constant 0 : i32
      %dma_wait3A_107 = tpu.memref_slice %arg10[%run_scoped3A, %dma_wait3A_106] : memref<1x2000xi32, #tpu.memory_space<vmem>> -> memref<1x2000xi32, #tpu.memory_space<vmem>>
      %dma_wait3A_108 = tpu.memref_squeeze %dma_wait3A_107 : memref<1x2000xi32, #tpu.memory_space<vmem>> -> memref<2000xi32, #tpu.memory_space<vmem>>
      %dma_wait3A_109 = arith.constant 0 : i32
      %dma_wait3A_110 = arith.constant 0 : i32
      %dma_wait3A_111 = tpu.memref_slice %arg13[%dma_wait3A_109, %dma_wait3A_110] : memref<100096x8xf32, #tpu.memory_space<vmem_shared>> -> memref<100096x8xf32, #tpu.memory_space<vmem_shared>>
      tpu.wait_indirect_dma semaphore(%run_scoped3A_99 : memref<!tpu.dma_semaphore, #tpu.memory_space<semaphore_mem>>) src(%arg7 : memref<2000x8xf32, #tpu.memory_space<vmem>>) dst(%dma_wait3A_111 : memref<100096x8xf32, #tpu.memory_space<vmem_shared>>)
      tpu.yield
    }) : () -> ()
    %add3A_83 = arith.constant 50 : i32
    %add3A_84 = arith.addi %mul3A_4, %add3A_83 : i32
    %sub3A_85 = arith.constant 1 : i32
    %sub3A_86 = arith.subi %add3A_84, %sub3A_85 : i32
    %dma_wait3A_87 = arith.constant 0 : i32
    %dma_wait3A_88 = arith.constant 0 : i32
    %dma_wait3A_89 = tpu.memref_slice %arg11[%dma_wait3A_87, %dma_wait3A_88] : memref<1x2000xi32, #tpu.memory_space<vmem>> -> memref<1x2000xi32, #tpu.memory_space<vmem>>
    %dma_wait3A_90 = tpu.memref_squeeze %dma_wait3A_89 : memref<1x2000xi32, #tpu.memory_space<vmem>> -> memref<2000xi32, #tpu.memory_space<vmem>>
    %dma_wait3A_91 = arith.constant 0 : i32
    %dma_wait3A_92 = arith.constant 0 : i32
    %dma_wait3A_93 = tpu.memref_slice %arg2[%dma_wait3A_91, %dma_wait3A_92] : memref<100096x8xf32, #tpu.memory_space<hbm>> -> memref<100096x8xf32, #tpu.memory_space<hbm>>
    tpu.wait_indirect_dma semaphore(%arg17 : memref<!tpu.dma_semaphore, #tpu.memory_space<semaphore_mem>>) src(%dma_wait3A_93 : memref<100096x8xf32, #tpu.memory_space<hbm>>) dst(%arg8 : memref<2000x8xf32, #tpu.memory_space<vmem>>)
    %run_scoped3A_94 = arith.constant 0 : i32
    "tpu.region"() ({
      %run_scoped3A_99 = tpu.sem_alloc : memref<!tpu.dma_semaphore, #tpu.memory_space<semaphore_mem>>
      %dma_start3A_100 = arith.constant 0 : i32
      %dma_start3A_101 = tpu.memref_slice %arg12[%run_scoped3A_94, %dma_start3A_100] : memref<1x2000xi32, #tpu.memory_space<vmem>> -> memref<1x2000xi32, #tpu.memory_space<vmem>>
      %dma_start3A_102 = tpu.memref_squeeze %dma_start3A_101 : memref<1x2000xi32, #tpu.memory_space<vmem>> -> memref<2000xi32, #tpu.memory_space<vmem>>
      %dma_start3A_103 = arith.constant 0 : i32
      %dma_start3A_104 = arith.constant 0 : i32
      %dma_start3A_105 = tpu.memref_slice %arg13[%dma_start3A_103, %dma_start3A_104] : memref<100096x8xf32, #tpu.memory_space<vmem_shared>> -> memref<100096x8xf32, #tpu.memory_space<vmem_shared>>
      tpu.enqueue_indirect_dma source(%arg8 : memref<2000x8xf32, #tpu.memory_space<vmem>>) target(%dma_start3A_105 : memref<100096x8xf32, #tpu.memory_space<vmem_shared>>) offsets(%dma_start3A_102 : memref<2000xi32, #tpu.memory_space<vmem>>) semaphore(%run_scoped3A_99 : memref<!tpu.dma_semaphore, #tpu.memory_space<semaphore_mem>>) {add = true}
      %dma_wait3A_106 = arith.constant 0 : i32
      %dma_wait3A_107 = tpu.memref_slice %arg12[%run_scoped3A_94, %dma_wait3A_106] : memref<1x2000xi32, #tpu.memory_space<vmem>> -> memref<1x2000xi32, #tpu.memory_space<vmem>>
      %dma_wait3A_108 = tpu.memref_squeeze %dma_wait3A_107 : memref<1x2000xi32, #tpu.memory_space<vmem>> -> memref<2000xi32, #tpu.memory_space<vmem>>
      %dma_wait3A_109 = arith.constant 0 : i32
      %dma_wait3A_110 = arith.constant 0 : i32
      %dma_wait3A_111 = tpu.memref_slice %arg13[%dma_wait3A_109, %dma_wait3A_110] : memref<100096x8xf32, #tpu.memory_space<vmem_shared>> -> memref<100096x8xf32, #tpu.memory_space<vmem_shared>>
      tpu.wait_indirect_dma semaphore(%run_scoped3A_99 : memref<!tpu.dma_semaphore, #tpu.memory_space<semaphore_mem>>) src(%arg8 : memref<2000x8xf32, #tpu.memory_space<vmem>>) dst(%dma_wait3A_111 : memref<100096x8xf32, #tpu.memory_space<vmem_shared>>)
      tpu.yield
    }) : () -> ()
    %barrier3A_95 = arith.constant 0 : index
    tpu.barrier barrier_id(%barrier3A_95)
    %mul3A_96 = arith.constant 100096 : i32
    %mul3A_97 = arith.muli %arg0, %mul3A_96 : i32
    %add3A_98 = arith.addi %mul3A_97, %mul3A_0 : i32
    "tpu.region"() ({
      %run_scoped3A_99 = tpu.sem_alloc : memref<!tpu.dma_semaphore, #tpu.memory_space<semaphore_mem>>
      %dma_start3A_100 = arith.constant 0 : i32
      %dma_start3A_101 = tpu.memref_slice %arg6[%add3A_98, %dma_start3A_100] : memref<200192x8xf32, #tpu.memory_space<hbm>> -> memref<6256x8xf32, #tpu.memory_space<hbm>>
      %dma_start3A_102 = arith.constant 0 : i32
      %dma_start3A_103 = tpu.memref_slice %arg13[%mul3A_0, %dma_start3A_102] : memref<100096x8xf32, #tpu.memory_space<vmem_shared>> -> memref<6256x8xf32, #tpu.memory_space<vmem_shared>>
      tpu.enqueue_dma source(%dma_start3A_103 : memref<6256x8xf32, #tpu.memory_space<vmem_shared>>) target(%dma_start3A_101 : memref<6256x8xf32, #tpu.memory_space<hbm>>) target_semaphore(%run_scoped3A_99 : memref<!tpu.dma_semaphore, #tpu.memory_space<semaphore_mem>>)
      %dma_wait3A_104 = arith.constant 0 : i32
      %dma_wait3A_105 = tpu.memref_slice %arg6[%add3A_98, %dma_wait3A_104] : memref<200192x8xf32, #tpu.memory_space<hbm>> -> memref<6256x8xf32, #tpu.memory_space<hbm>>
      %dma_wait3A_106 = arith.constant 0 : i32
      %dma_wait3A_107 = tpu.memref_slice %arg13[%mul3A_0, %dma_wait3A_106] : memref<100096x8xf32, #tpu.memory_space<vmem_shared>> -> memref<6256x8xf32, #tpu.memory_space<vmem_shared>>
      tpu.wait_dma2 semaphore(%run_scoped3A_99 : memref<!tpu.dma_semaphore, #tpu.memory_space<semaphore_mem>>) src(%dma_wait3A_107 : memref<6256x8xf32, #tpu.memory_space<vmem_shared>>) dst(%dma_wait3A_105 : memref<6256x8xf32, #tpu.memory_space<hbm>>)
      tpu.yield
    }) : () -> ()
    return
  }
}

#map = affine_map<(d0, d1) -> (0, 0)>
module attributes {stable_mosaic.version = 14 : i64} {
  func.func @gs_kernel(%arg0: i32, %arg1: i32, %arg2: memref<100096x8xf32, #tpu.memory_space<hbm>>, %arg3: memref<1x3200000xi32, #tpu.memory_space<hbm>>, %arg4: memref<1x3200000xi32, #tpu.memory_space<hbm>>, %arg5: memref<100096x8xf32, #tpu.memory_space<hbm>>, %arg6: memref<200192x8xf32, #tpu.memory_space<hbm>>, %arg7: memref<2000x8xf32, #tpu.memory_space<vmem>>, %arg8: memref<2000x8xf32, #tpu.memory_space<vmem>>, %arg9: memref<1x2000xi32, #tpu.memory_space<vmem>>, %arg10: memref<1x2000xi32, #tpu.memory_space<vmem>>, %arg11: memref<1x2000xi32, #tpu.memory_space<vmem>>, %arg12: memref<1x2000xi32, #tpu.memory_space<vmem>>, %arg13: memref<100096x8xf32, #tpu.memory_space<vmem_shared>>, %arg14: memref<!tpu.dma_semaphore, #tpu.memory_space<semaphore_mem>>, %arg15: memref<!tpu.dma_semaphore, #tpu.memory_space<semaphore_mem>>, %arg16: memref<!tpu.dma_semaphore, #tpu.memory_space<semaphore_mem>>, %arg17: memref<!tpu.dma_semaphore, #tpu.memory_space<semaphore_mem>>) attributes {dimension_semantics = [#tpu.dimension_semantics<core_parallel>, #tpu.dimension_semantics<subcore_parallel>], iteration_bounds = array<i64: 2, 16>, scalar_prefetch = 0 : i64, scratch_operands = 11 : i64, tpu.core_type = #tpu.core_type<sc_vector_subcore>, window_params = [{transform_indices = #map}, {transform_indices = #map}, {transform_indices = #map}, {transform_indices = #map}, {transform_indices = #map}]} {
    %mul3A = arith.constant 6256 : i32
    %mul3A_0 = arith.muli %arg1, %mul3A : i32
    "tpu.region"() ({
      %run_scoped3A_99 = tpu.sem_alloc : memref<!tpu.dma_semaphore, #tpu.memory_space<semaphore_mem>>
      %dma_start3A_100 = arith.constant 0 : i32
      %dma_start3A_101 = tpu.memref_slice %arg13[%mul3A_0, %dma_start3A_100] : memref<100096x8xf32, #tpu.memory_space<vmem_shared>> -> memref<6256x8xf32, #tpu.memory_space<vmem_shared>>
      %dma_start3A_102 = arith.constant 0 : i32
      %dma_start3A_103 = tpu.memref_slice %arg5[%mul3A_0, %dma_start3A_102] : memref<100096x8xf32, #tpu.memory_space<hbm>> -> memref<6256x8xf32, #tpu.memory_space<hbm>>
      tpu.enqueue_dma source(%dma_start3A_103 : memref<6256x8xf32, #tpu.memory_space<hbm>>) target(%dma_start3A_101 : memref<6256x8xf32, #tpu.memory_space<vmem_shared>>) target_semaphore(%run_scoped3A_99 : memref<!tpu.dma_semaphore, #tpu.memory_space<semaphore_mem>>)
      %dma_wait3A_104 = arith.constant 0 : i32
      %dma_wait3A_105 = tpu.memref_slice %arg13[%mul3A_0, %dma_wait3A_104] : memref<100096x8xf32, #tpu.memory_space<vmem_shared>> -> memref<6256x8xf32, #tpu.memory_space<vmem_shared>>
      %dma_wait3A_106 = arith.constant 0 : i32
      %dma_wait3A_107 = tpu.memref_slice %arg5[%mul3A_0, %dma_wait3A_106] : memref<100096x8xf32, #tpu.memory_space<hbm>> -> memref<6256x8xf32, #tpu.memory_space<hbm>>
      tpu.wait_dma2 semaphore(%run_scoped3A_99 : memref<!tpu.dma_semaphore, #tpu.memory_space<semaphore_mem>>) src(%dma_wait3A_107 : memref<6256x8xf32, #tpu.memory_space<hbm>>) dst(%dma_wait3A_105 : memref<6256x8xf32, #tpu.memory_space<vmem_shared>>)
      tpu.yield
    }) : () -> ()
    %barrier3A = arith.constant 0 : index
    tpu.barrier barrier_id(%barrier3A)
    %mul3A_1 = arith.constant 16 : i32
    %mul3A_2 = arith.muli %arg0, %mul3A_1 : i32
    %add3A = arith.addi %mul3A_2, %arg1 : i32
    %mul3A_3 = arith.constant 50 : i32
    %mul3A_4 = arith.muli %add3A, %mul3A_3 : i32
    %add3A_5 = arith.constant 0 : i32
    %add3A_6 = arith.addi %mul3A_4, %add3A_5 : i32
    %mul3A_7 = arith.constant 2000 : i32
    %mul3A_8 = arith.muli %add3A_6, %mul3A_7 : i32
    %dma_start3A = arith.constant 0 : i32
    %dma_start3A_9 = tpu.memref_slice %arg3[%dma_start3A, %mul3A_8] : memref<1x3200000xi32, #tpu.memory_space<hbm>> -> memref<1x2000xi32, #tpu.memory_space<hbm>>
    %dma_start3A_10 = arith.constant 0 : i32
    %dma_start3A_11 = tpu.memref_slice %arg3[%dma_start3A_10, %mul3A_8] : memref<1x3200000xi32, #tpu.memory_space<hbm>> -> memref<1x2000xi32, #tpu.memory_space<hbm>>
    tpu.enqueue_dma source(%dma_start3A_11 : memref<1x2000xi32, #tpu.memory_space<hbm>>) target(%arg9 : memref<1x2000xi32, #tpu.memory_space<vmem>>) target_semaphore(%arg14 : memref<!tpu.dma_semaphore, #tpu.memory_space<semaphore_mem>>)
    %mul3A_12 = arith.constant 2000 : i32
    %mul3A_13 = arith.muli %add3A_6, %mul3A_12 : i32
    %dma_start3A_14 = arith.constant 0 : i32
    %dma_start3A_15 = tpu.memref_slice %arg4[%dma_start3A_14, %mul3A_13] : memref<1x3200000xi32, #tpu.memory_space<hbm>> -> memref<1x2000xi32, #tpu.memory_space<hbm>>
    %dma_start3A_16 = arith.constant 0 : i32
    %dma_start3A_17 = tpu.memref_slice %arg4[%dma_start3A_16, %mul3A_13] : memref<1x3200000xi32, #tpu.memory_space<hbm>> -> memref<1x2000xi32, #tpu.memory_space<hbm>>
    tpu.enqueue_dma source(%dma_start3A_17 : memref<1x2000xi32, #tpu.memory_space<hbm>>) target(%arg10 : memref<1x2000xi32, #tpu.memory_space<vmem>>) target_semaphore(%arg14 : memref<!tpu.dma_semaphore, #tpu.memory_space<semaphore_mem>>)
    %mul3A_18 = arith.constant 2000 : i32
    %mul3A_19 = arith.muli %add3A_6, %mul3A_18 : i32
    %dma_wait3A = arith.constant 0 : i32
    %dma_wait3A_20 = tpu.memref_slice %arg3[%dma_wait3A, %mul3A_19] : memref<1x3200000xi32, #tpu.memory_space<hbm>> -> memref<1x2000xi32, #tpu.memory_space<hbm>>
    %dma_wait3A_21 = arith.constant 0 : i32
    %dma_wait3A_22 = tpu.memref_slice %arg3[%dma_wait3A_21, %mul3A_19] : memref<1x3200000xi32, #tpu.memory_space<hbm>> -> memref<1x2000xi32, #tpu.memory_space<hbm>>
    tpu.wait_dma2 semaphore(%arg14 : memref<!tpu.dma_semaphore, #tpu.memory_space<semaphore_mem>>) src(%dma_wait3A_22 : memref<1x2000xi32, #tpu.memory_space<hbm>>) dst(%arg9 : memref<1x2000xi32, #tpu.memory_space<vmem>>)
    %mul3A_23 = arith.constant 2000 : i32
    %mul3A_24 = arith.muli %add3A_6, %mul3A_23 : i32
    %dma_wait3A_25 = arith.constant 0 : i32
    %dma_wait3A_26 = tpu.memref_slice %arg4[%dma_wait3A_25, %mul3A_24] : memref<1x3200000xi32, #tpu.memory_space<hbm>> -> memref<1x2000xi32, #tpu.memory_space<hbm>>
    %dma_wait3A_27 = arith.constant 0 : i32
    %dma_wait3A_28 = tpu.memref_slice %arg4[%dma_wait3A_27, %mul3A_24] : memref<1x3200000xi32, #tpu.memory_space<hbm>> -> memref<1x2000xi32, #tpu.memory_space<hbm>>
    tpu.wait_dma2 semaphore(%arg14 : memref<!tpu.dma_semaphore, #tpu.memory_space<semaphore_mem>>) src(%dma_wait3A_28 : memref<1x2000xi32, #tpu.memory_space<hbm>>) dst(%arg10 : memref<1x2000xi32, #tpu.memory_space<vmem>>)
    %dma_start3A_29 = arith.constant 0 : i32
    %dma_start3A_30 = arith.constant 0 : i32
    %dma_start3A_31 = tpu.memref_slice %arg9[%dma_start3A_29, %dma_start3A_30] : memref<1x2000xi32, #tpu.memory_space<vmem>> -> memref<1x2000xi32, #tpu.memory_space<vmem>>
    %dma_start3A_32 = tpu.memref_squeeze %dma_start3A_31 : memref<1x2000xi32, #tpu.memory_space<vmem>> -> memref<2000xi32, #tpu.memory_space<vmem>>
    %dma_start3A_33 = arith.constant 0 : i32
    %dma_start3A_34 = arith.constant 0 : i32
    %dma_start3A_35 = tpu.memref_slice %arg2[%dma_start3A_33, %dma_start3A_34] : memref<100096x8xf32, #tpu.memory_space<hbm>> -> memref<100096x8xf32, #tpu.memory_space<hbm>>
    tpu.enqueue_indirect_dma source(%dma_start3A_35 : memref<100096x8xf32, #tpu.memory_space<hbm>>) target(%arg7 : memref<2000x8xf32, #tpu.memory_space<vmem>>) offsets(%dma_start3A_32 : memref<2000xi32, #tpu.memory_space<vmem>>) semaphore(%arg16 : memref<!tpu.dma_semaphore, #tpu.memory_space<semaphore_mem>>)
    %add3A_36 = arith.constant 1 : i32
    %add3A_37 = arith.addi %mul3A_4, %add3A_36 : i32
    %mul3A_38 = arith.constant 2000 : i32
    %mul3A_39 = arith.muli %add3A_37, %mul3A_38 : i32
    %dma_start3A_40 = arith.constant 0 : i32
    %dma_start3A_41 = tpu.memref_slice %arg3[%dma_start3A_40, %mul3A_39] : memref<1x3200000xi32, #tpu.memory_space<hbm>> -> memref<1x2000xi32, #tpu.memory_space<hbm>>
    %dma_start3A_42 = arith.constant 0 : i32
    %dma_start3A_43 = tpu.memref_slice %arg3[%dma_start3A_42, %mul3A_39] : memref<1x3200000xi32, #tpu.memory_space<hbm>> -> memref<1x2000xi32, #tpu.memory_space<hbm>>
    tpu.enqueue_dma source(%dma_start3A_43 : memref<1x2000xi32, #tpu.memory_space<hbm>>) target(%arg11 : memref<1x2000xi32, #tpu.memory_space<vmem>>) target_semaphore(%arg15 : memref<!tpu.dma_semaphore, #tpu.memory_space<semaphore_mem>>)
    %mul3A_44 = arith.constant 2000 : i32
    %mul3A_45 = arith.muli %add3A_37, %mul3A_44 : i32
    %dma_start3A_46 = arith.constant 0 : i32
    %dma_start3A_47 = tpu.memref_slice %arg4[%dma_start3A_46, %mul3A_45] : memref<1x3200000xi32, #tpu.memory_space<hbm>> -> memref<1x2000xi32, #tpu.memory_space<hbm>>
    %dma_start3A_48 = arith.constant 0 : i32
    %dma_start3A_49 = tpu.memref_slice %arg4[%dma_start3A_48, %mul3A_45] : memref<1x3200000xi32, #tpu.memory_space<hbm>> -> memref<1x2000xi32, #tpu.memory_space<hbm>>
    tpu.enqueue_dma source(%dma_start3A_49 : memref<1x2000xi32, #tpu.memory_space<hbm>>) target(%arg12 : memref<1x2000xi32, #tpu.memory_space<vmem>>) target_semaphore(%arg15 : memref<!tpu.dma_semaphore, #tpu.memory_space<semaphore_mem>>)
    %mul3A_50 = arith.constant 2000 : i32
    %mul3A_51 = arith.muli %add3A_37, %mul3A_50 : i32
    %dma_wait3A_52 = arith.constant 0 : i32
    %dma_wait3A_53 = tpu.memref_slice %arg3[%dma_wait3A_52, %mul3A_51] : memref<1x3200000xi32, #tpu.memory_space<hbm>> -> memref<1x2000xi32, #tpu.memory_space<hbm>>
    %dma_wait3A_54 = arith.constant 0 : i32
    %dma_wait3A_55 = tpu.memref_slice %arg3[%dma_wait3A_54, %mul3A_51] : memref<1x3200000xi32, #tpu.memory_space<hbm>> -> memref<1x2000xi32, #tpu.memory_space<hbm>>
    tpu.wait_dma2 semaphore(%arg15 : memref<!tpu.dma_semaphore, #tpu.memory_space<semaphore_mem>>) src(%dma_wait3A_55 : memref<1x2000xi32, #tpu.memory_space<hbm>>) dst(%arg11 : memref<1x2000xi32, #tpu.memory_space<vmem>>)
    %mul3A_56 = arith.constant 2000 : i32
    %mul3A_57 = arith.muli %add3A_37, %mul3A_56 : i32
    %dma_wait3A_58 = arith.constant 0 : i32
    %dma_wait3A_59 = tpu.memref_slice %arg4[%dma_wait3A_58, %mul3A_57] : memref<1x3200000xi32, #tpu.memory_space<hbm>> -> memref<1x2000xi32, #tpu.memory_space<hbm>>
    %dma_wait3A_60 = arith.constant 0 : i32
    %dma_wait3A_61 = tpu.memref_slice %arg4[%dma_wait3A_60, %mul3A_57] : memref<1x3200000xi32, #tpu.memory_space<hbm>> -> memref<1x2000xi32, #tpu.memory_space<hbm>>
    tpu.wait_dma2 semaphore(%arg15 : memref<!tpu.dma_semaphore, #tpu.memory_space<semaphore_mem>>) src(%dma_wait3A_61 : memref<1x2000xi32, #tpu.memory_space<hbm>>) dst(%arg12 : memref<1x2000xi32, #tpu.memory_space<vmem>>)
    %dma_start3A_62 = arith.constant 0 : i32
    %dma_start3A_63 = arith.constant 0 : i32
    %dma_start3A_64 = tpu.memref_slice %arg11[%dma_start3A_62, %dma_start3A_63] : memref<1x2000xi32, #tpu.memory_space<vmem>> -> memref<1x2000xi32, #tpu.memory_space<vmem>>
    %dma_start3A_65 = tpu.memref_squeeze %dma_start3A_64 : memref<1x2000xi32, #tpu.memory_space<vmem>> -> memref<2000xi32, #tpu.memory_space<vmem>>
    %dma_start3A_66 = arith.constant 0 : i32
    %dma_start3A_67 = arith.constant 0 : i32
    %dma_start3A_68 = tpu.memref_slice %arg2[%dma_start3A_66, %dma_start3A_67] : memref<100096x8xf32, #tpu.memory_space<hbm>> -> memref<100096x8xf32, #tpu.memory_space<hbm>>
    tpu.enqueue_indirect_dma source(%dma_start3A_68 : memref<100096x8xf32, #tpu.memory_space<hbm>>) target(%arg8 : memref<2000x8xf32, #tpu.memory_space<vmem>>) offsets(%dma_start3A_65 : memref<2000xi32, #tpu.memory_space<vmem>>) semaphore(%arg17 : memref<!tpu.dma_semaphore, #tpu.memory_space<semaphore_mem>>)
    %scan3A = arith.constant 0 : i32
    %scan3A_69 = arith.constant 24 : i32
    %scan3A_70 = arith.addi %scan3A, %scan3A_69 : i32
    %scan3A_71 = arith.constant 1 : i32
    scf.for %scan3A_99 = %scan3A to %scan3A_70 step %scan3A_71  : i32 {
      %mul3A_100 = arith.constant 1 : i32
      %mul3A_101 = arith.muli %scan3A_99, %mul3A_100 : i32
      %add3A_102 = arith.constant 0 : i32
      %add3A_103 = arith.addi %add3A_102, %mul3A_101 : i32
      %mul3A_104 = arith.constant 2 : i32
      %mul3A_105 = arith.muli %mul3A_104, %add3A_103 : i32
      %add3A_106 = arith.addi %mul3A_4, %mul3A_105 : i32
      %dma_wait3A_107 = arith.constant 0 : i32
      %dma_wait3A_108 = arith.constant 0 : i32
      %dma_wait3A_109 = tpu.memref_slice %arg9[%dma_wait3A_107, %dma_wait3A_108] : memref<1x2000xi32, #tpu.memory_space<vmem>> -> memref<1x2000xi32, #tpu.memory_space<vmem>>
      %dma_wait3A_110 = tpu.memref_squeeze %dma_wait3A_109 : memref<1x2000xi32, #tpu.memory_space<vmem>> -> memref<2000xi32, #tpu.memory_space<vmem>>
      %dma_wait3A_111 = arith.constant 0 : i32
      %dma_wait3A_112 = arith.constant 0 : i32
      %dma_wait3A_113 = tpu.memref_slice %arg2[%dma_wait3A_111, %dma_wait3A_112] : memref<100096x8xf32, #tpu.memory_space<hbm>> -> memref<100096x8xf32, #tpu.memory_space<hbm>>
      tpu.wait_indirect_dma semaphore(%arg16 : memref<!tpu.dma_semaphore, #tpu.memory_space<semaphore_mem>>) src(%dma_wait3A_113 : memref<100096x8xf32, #tpu.memory_space<hbm>>) dst(%arg7 : memref<2000x8xf32, #tpu.memory_space<vmem>>)
      %run_scoped3A_114 = arith.constant 0 : i32
      "tpu.region"() ({
        %run_scoped3A_191 = tpu.sem_alloc : memref<!tpu.dma_semaphore, #tpu.memory_space<semaphore_mem>>
        %dma_start3A_192 = arith.constant 0 : i32
        %dma_start3A_193 = tpu.memref_slice %arg10[%run_scoped3A_114, %dma_start3A_192] : memref<1x2000xi32, #tpu.memory_space<vmem>> -> memref<1x2000xi32, #tpu.memory_space<vmem>>
        %dma_start3A_194 = tpu.memref_squeeze %dma_start3A_193 : memref<1x2000xi32, #tpu.memory_space<vmem>> -> memref<2000xi32, #tpu.memory_space<vmem>>
        %dma_start3A_195 = arith.constant 0 : i32
        %dma_start3A_196 = arith.constant 0 : i32
        %dma_start3A_197 = tpu.memref_slice %arg13[%dma_start3A_195, %dma_start3A_196] : memref<100096x8xf32, #tpu.memory_space<vmem_shared>> -> memref<100096x8xf32, #tpu.memory_space<vmem_shared>>
        tpu.enqueue_indirect_dma source(%arg7 : memref<2000x8xf32, #tpu.memory_space<vmem>>) target(%dma_start3A_197 : memref<100096x8xf32, #tpu.memory_space<vmem_shared>>) offsets(%dma_start3A_194 : memref<2000xi32, #tpu.memory_space<vmem>>) semaphore(%run_scoped3A_191 : memref<!tpu.dma_semaphore, #tpu.memory_space<semaphore_mem>>) {add = true}
        %dma_wait3A_198 = arith.constant 0 : i32
        %dma_wait3A_199 = tpu.memref_slice %arg10[%run_scoped3A_114, %dma_wait3A_198] : memref<1x2000xi32, #tpu.memory_space<vmem>> -> memref<1x2000xi32, #tpu.memory_space<vmem>>
        %dma_wait3A_200 = tpu.memref_squeeze %dma_wait3A_199 : memref<1x2000xi32, #tpu.memory_space<vmem>> -> memref<2000xi32, #tpu.memory_space<vmem>>
        %dma_wait3A_201 = arith.constant 0 : i32
        %dma_wait3A_202 = arith.constant 0 : i32
        %dma_wait3A_203 = tpu.memref_slice %arg13[%dma_wait3A_201, %dma_wait3A_202] : memref<100096x8xf32, #tpu.memory_space<vmem_shared>> -> memref<100096x8xf32, #tpu.memory_space<vmem_shared>>
        tpu.wait_indirect_dma semaphore(%run_scoped3A_191 : memref<!tpu.dma_semaphore, #tpu.memory_space<semaphore_mem>>) src(%arg7 : memref<2000x8xf32, #tpu.memory_space<vmem>>) dst(%dma_wait3A_203 : memref<100096x8xf32, #tpu.memory_space<vmem_shared>>)
        tpu.yield
      }) : () -> ()
      %add3A_115 = arith.constant 2 : i32
      %add3A_116 = arith.addi %add3A_106, %add3A_115 : i32
      %mul3A_117 = arith.constant 2000 : i32
      %mul3A_118 = arith.muli %add3A_116, %mul3A_117 : i32
      %dma_start3A_119 = arith.constant 0 : i32
      %dma_start3A_120 = tpu.memref_slice %arg3[%dma_start3A_119, %mul3A_118] : memref<1x3200000xi32, #tpu.memory_space<hbm>> -> memref<1x2000xi32, #tpu.memory_space<hbm>>
      %dma_start3A_121 = arith.constant 0 : i32
      %dma_start3A_122 = tpu.memref_slice %arg3[%dma_start3A_121, %mul3A_118] : memref<1x3200000xi32, #tpu.memory_space<hbm>> -> memref<1x2000xi32, #tpu.memory_space<hbm>>
      tpu.enqueue_dma source(%dma_start3A_122 : memref<1x2000xi32, #tpu.memory_space<hbm>>) target(%arg9 : memref<1x2000xi32, #tpu.memory_space<vmem>>) target_semaphore(%arg14 : memref<!tpu.dma_semaphore, #tpu.memory_space<semaphore_mem>>)
      %mul3A_123 = arith.constant 2000 : i32
      %mul3A_124 = arith.muli %add3A_116, %mul3A_123 : i32
      %dma_start3A_125 = arith.constant 0 : i32
      %dma_start3A_126 = tpu.memref_slice %arg4[%dma_start3A_125, %mul3A_124] : memref<1x3200000xi32, #tpu.memory_space<hbm>> -> memref<1x2000xi32, #tpu.memory_space<hbm>>
      %dma_start3A_127 = arith.constant 0 : i32
      %dma_start3A_128 = tpu.memref_slice %arg4[%dma_start3A_127, %mul3A_124] : memref<1x3200000xi32, #tpu.memory_space<hbm>> -> memref<1x2000xi32, #tpu.memory_space<hbm>>
      tpu.enqueue_dma source(%dma_start3A_128 : memref<1x2000xi32, #tpu.memory_space<hbm>>) target(%arg10 : memref<1x2000xi32, #tpu.memory_space<vmem>>) target_semaphore(%arg14 : memref<!tpu.dma_semaphore, #tpu.memory_space<semaphore_mem>>)
      %mul3A_129 = arith.constant 2000 : i32
      %mul3A_130 = arith.muli %add3A_116, %mul3A_129 : i32
      %dma_wait3A_131 = arith.constant 0 : i32
      %dma_wait3A_132 = tpu.memref_slice %arg3[%dma_wait3A_131, %mul3A_130] : memref<1x3200000xi32, #tpu.memory_space<hbm>> -> memref<1x2000xi32, #tpu.memory_space<hbm>>
      %dma_wait3A_133 = arith.constant 0 : i32
      %dma_wait3A_134 = tpu.memref_slice %arg3[%dma_wait3A_133, %mul3A_130] : memref<1x3200000xi32, #tpu.memory_space<hbm>> -> memref<1x2000xi32, #tpu.memory_space<hbm>>
      tpu.wait_dma2 semaphore(%arg14 : memref<!tpu.dma_semaphore, #tpu.memory_space<semaphore_mem>>) src(%dma_wait3A_134 : memref<1x2000xi32, #tpu.memory_space<hbm>>) dst(%arg9 : memref<1x2000xi32, #tpu.memory_space<vmem>>)
      %mul3A_135 = arith.constant 2000 : i32
      %mul3A_136 = arith.muli %add3A_116, %mul3A_135 : i32
      %dma_wait3A_137 = arith.constant 0 : i32
      %dma_wait3A_138 = tpu.memref_slice %arg4[%dma_wait3A_137, %mul3A_136] : memref<1x3200000xi32, #tpu.memory_space<hbm>> -> memref<1x2000xi32, #tpu.memory_space<hbm>>
      %dma_wait3A_139 = arith.constant 0 : i32
      %dma_wait3A_140 = tpu.memref_slice %arg4[%dma_wait3A_139, %mul3A_136] : memref<1x3200000xi32, #tpu.memory_space<hbm>> -> memref<1x2000xi32, #tpu.memory_space<hbm>>
      tpu.wait_dma2 semaphore(%arg14 : memref<!tpu.dma_semaphore, #tpu.memory_space<semaphore_mem>>) src(%dma_wait3A_140 : memref<1x2000xi32, #tpu.memory_space<hbm>>) dst(%arg10 : memref<1x2000xi32, #tpu.memory_space<vmem>>)
      %dma_start3A_141 = arith.constant 0 : i32
      %dma_start3A_142 = arith.constant 0 : i32
      %dma_start3A_143 = tpu.memref_slice %arg9[%dma_start3A_141, %dma_start3A_142] : memref<1x2000xi32, #tpu.memory_space<vmem>> -> memref<1x2000xi32, #tpu.memory_space<vmem>>
      %dma_start3A_144 = tpu.memref_squeeze %dma_start3A_143 : memref<1x2000xi32, #tpu.memory_space<vmem>> -> memref<2000xi32, #tpu.memory_space<vmem>>
      %dma_start3A_145 = arith.constant 0 : i32
      %dma_start3A_146 = arith.constant 0 : i32
      %dma_start3A_147 = tpu.memref_slice %arg2[%dma_start3A_145, %dma_start3A_146] : memref<100096x8xf32, #tpu.memory_space<hbm>> -> memref<100096x8xf32, #tpu.memory_space<hbm>>
      tpu.enqueue_indirect_dma source(%dma_start3A_147 : memref<100096x8xf32, #tpu.memory_space<hbm>>) target(%arg7 : memref<2000x8xf32, #tpu.memory_space<vmem>>) offsets(%dma_start3A_144 : memref<2000xi32, #tpu.memory_space<vmem>>) semaphore(%arg16 : memref<!tpu.dma_semaphore, #tpu.memory_space<semaphore_mem>>)
      %add3A_148 = arith.constant 1 : i32
      %add3A_149 = arith.addi %add3A_106, %add3A_148 : i32
      %dma_wait3A_150 = arith.constant 0 : i32
      %dma_wait3A_151 = arith.constant 0 : i32
      %dma_wait3A_152 = tpu.memref_slice %arg11[%dma_wait3A_150, %dma_wait3A_151] : memref<1x2000xi32, #tpu.memory_space<vmem>> -> memref<1x2000xi32, #tpu.memory_space<vmem>>
      %dma_wait3A_153 = tpu.memref_squeeze %dma_wait3A_152 : memref<1x2000xi32, #tpu.memory_space<vmem>> -> memref<2000xi32, #tpu.memory_space<vmem>>
      %dma_wait3A_154 = arith.constant 0 : i32
      %dma_wait3A_155 = arith.constant 0 : i32
      %dma_wait3A_156 = tpu.memref_slice %arg2[%dma_wait3A_154, %dma_wait3A_155] : memref<100096x8xf32, #tpu.memory_space<hbm>> -> memref<100096x8xf32, #tpu.memory_space<hbm>>
      tpu.wait_indirect_dma semaphore(%arg17 : memref<!tpu.dma_semaphore, #tpu.memory_space<semaphore_mem>>) src(%dma_wait3A_156 : memref<100096x8xf32, #tpu.memory_space<hbm>>) dst(%arg8 : memref<2000x8xf32, #tpu.memory_space<vmem>>)
      %run_scoped3A_157 = arith.constant 0 : i32
      "tpu.region"() ({
        %run_scoped3A_191 = tpu.sem_alloc : memref<!tpu.dma_semaphore, #tpu.memory_space<semaphore_mem>>
        %dma_start3A_192 = arith.constant 0 : i32
        %dma_start3A_193 = tpu.memref_slice %arg12[%run_scoped3A_157, %dma_start3A_192] : memref<1x2000xi32, #tpu.memory_space<vmem>> -> memref<1x2000xi32, #tpu.memory_space<vmem>>
        %dma_start3A_194 = tpu.memref_squeeze %dma_start3A_193 : memref<1x2000xi32, #tpu.memory_space<vmem>> -> memref<2000xi32, #tpu.memory_space<vmem>>
        %dma_start3A_195 = arith.constant 0 : i32
        %dma_start3A_196 = arith.constant 0 : i32
        %dma_start3A_197 = tpu.memref_slice %arg13[%dma_start3A_195, %dma_start3A_196] : memref<100096x8xf32, #tpu.memory_space<vmem_shared>> -> memref<100096x8xf32, #tpu.memory_space<vmem_shared>>
        tpu.enqueue_indirect_dma source(%arg8 : memref<2000x8xf32, #tpu.memory_space<vmem>>) target(%dma_start3A_197 : memref<100096x8xf32, #tpu.memory_space<vmem_shared>>) offsets(%dma_start3A_194 : memref<2000xi32, #tpu.memory_space<vmem>>) semaphore(%run_scoped3A_191 : memref<!tpu.dma_semaphore, #tpu.memory_space<semaphore_mem>>) {add = true}
        %dma_wait3A_198 = arith.constant 0 : i32
        %dma_wait3A_199 = tpu.memref_slice %arg12[%run_scoped3A_157, %dma_wait3A_198] : memref<1x2000xi32, #tpu.memory_space<vmem>> -> memref<1x2000xi32, #tpu.memory_space<vmem>>
        %dma_wait3A_200 = tpu.memref_squeeze %dma_wait3A_199 : memref<1x2000xi32, #tpu.memory_space<vmem>> -> memref<2000xi32, #tpu.memory_space<vmem>>
        %dma_wait3A_201 = arith.constant 0 : i32
        %dma_wait3A_202 = arith.constant 0 : i32
        %dma_wait3A_203 = tpu.memref_slice %arg13[%dma_wait3A_201, %dma_wait3A_202] : memref<100096x8xf32, #tpu.memory_space<vmem_shared>> -> memref<100096x8xf32, #tpu.memory_space<vmem_shared>>
        tpu.wait_indirect_dma semaphore(%run_scoped3A_191 : memref<!tpu.dma_semaphore, #tpu.memory_space<semaphore_mem>>) src(%arg8 : memref<2000x8xf32, #tpu.memory_space<vmem>>) dst(%dma_wait3A_203 : memref<100096x8xf32, #tpu.memory_space<vmem_shared>>)
        tpu.yield
      }) : () -> ()
      %add3A_158 = arith.constant 3 : i32
      %add3A_159 = arith.addi %add3A_106, %add3A_158 : i32
      %mul3A_160 = arith.constant 2000 : i32
      %mul3A_161 = arith.muli %add3A_159, %mul3A_160 : i32
      %dma_start3A_162 = arith.constant 0 : i32
      %dma_start3A_163 = tpu.memref_slice %arg3[%dma_start3A_162, %mul3A_161] : memref<1x3200000xi32, #tpu.memory_space<hbm>> -> memref<1x2000xi32, #tpu.memory_space<hbm>>
      %dma_start3A_164 = arith.constant 0 : i32
      %dma_start3A_165 = tpu.memref_slice %arg3[%dma_start3A_164, %mul3A_161] : memref<1x3200000xi32, #tpu.memory_space<hbm>> -> memref<1x2000xi32, #tpu.memory_space<hbm>>
      tpu.enqueue_dma source(%dma_start3A_165 : memref<1x2000xi32, #tpu.memory_space<hbm>>) target(%arg11 : memref<1x2000xi32, #tpu.memory_space<vmem>>) target_semaphore(%arg15 : memref<!tpu.dma_semaphore, #tpu.memory_space<semaphore_mem>>)
      %mul3A_166 = arith.constant 2000 : i32
      %mul3A_167 = arith.muli %add3A_159, %mul3A_166 : i32
      %dma_start3A_168 = arith.constant 0 : i32
      %dma_start3A_169 = tpu.memref_slice %arg4[%dma_start3A_168, %mul3A_167] : memref<1x3200000xi32, #tpu.memory_space<hbm>> -> memref<1x2000xi32, #tpu.memory_space<hbm>>
      %dma_start3A_170 = arith.constant 0 : i32
      %dma_start3A_171 = tpu.memref_slice %arg4[%dma_start3A_170, %mul3A_167] : memref<1x3200000xi32, #tpu.memory_space<hbm>> -> memref<1x2000xi32, #tpu.memory_space<hbm>>
      tpu.enqueue_dma source(%dma_start3A_171 : memref<1x2000xi32, #tpu.memory_space<hbm>>) target(%arg12 : memref<1x2000xi32, #tpu.memory_space<vmem>>) target_semaphore(%arg15 : memref<!tpu.dma_semaphore, #tpu.memory_space<semaphore_mem>>)
      %mul3A_172 = arith.constant 2000 : i32
      %mul3A_173 = arith.muli %add3A_159, %mul3A_172 : i32
      %dma_wait3A_174 = arith.constant 0 : i32
      %dma_wait3A_175 = tpu.memref_slice %arg3[%dma_wait3A_174, %mul3A_173] : memref<1x3200000xi32, #tpu.memory_space<hbm>> -> memref<1x2000xi32, #tpu.memory_space<hbm>>
      %dma_wait3A_176 = arith.constant 0 : i32
      %dma_wait3A_177 = tpu.memref_slice %arg3[%dma_wait3A_176, %mul3A_173] : memref<1x3200000xi32, #tpu.memory_space<hbm>> -> memref<1x2000xi32, #tpu.memory_space<hbm>>
      tpu.wait_dma2 semaphore(%arg15 : memref<!tpu.dma_semaphore, #tpu.memory_space<semaphore_mem>>) src(%dma_wait3A_177 : memref<1x2000xi32, #tpu.memory_space<hbm>>) dst(%arg11 : memref<1x2000xi32, #tpu.memory_space<vmem>>)
      %mul3A_178 = arith.constant 2000 : i32
      %mul3A_179 = arith.muli %add3A_159, %mul3A_178 : i32
      %dma_wait3A_180 = arith.constant 0 : i32
      %dma_wait3A_181 = tpu.memref_slice %arg4[%dma_wait3A_180, %mul3A_179] : memref<1x3200000xi32, #tpu.memory_space<hbm>> -> memref<1x2000xi32, #tpu.memory_space<hbm>>
      %dma_wait3A_182 = arith.constant 0 : i32
      %dma_wait3A_183 = tpu.memref_slice %arg4[%dma_wait3A_182, %mul3A_179] : memref<1x3200000xi32, #tpu.memory_space<hbm>> -> memref<1x2000xi32, #tpu.memory_space<hbm>>
      tpu.wait_dma2 semaphore(%arg15 : memref<!tpu.dma_semaphore, #tpu.memory_space<semaphore_mem>>) src(%dma_wait3A_183 : memref<1x2000xi32, #tpu.memory_space<hbm>>) dst(%arg12 : memref<1x2000xi32, #tpu.memory_space<vmem>>)
      %dma_start3A_184 = arith.constant 0 : i32
      %dma_start3A_185 = arith.constant 0 : i32
      %dma_start3A_186 = tpu.memref_slice %arg11[%dma_start3A_184, %dma_start3A_185] : memref<1x2000xi32, #tpu.memory_space<vmem>> -> memref<1x2000xi32, #tpu.memory_space<vmem>>
      %dma_start3A_187 = tpu.memref_squeeze %dma_start3A_186 : memref<1x2000xi32, #tpu.memory_space<vmem>> -> memref<2000xi32, #tpu.memory_space<vmem>>
      %dma_start3A_188 = arith.constant 0 : i32
      %dma_start3A_189 = arith.constant 0 : i32
      %dma_start3A_190 = tpu.memref_slice %arg2[%dma_start3A_188, %dma_start3A_189] : memref<100096x8xf32, #tpu.memory_space<hbm>> -> memref<100096x8xf32, #tpu.memory_space<hbm>>
      tpu.enqueue_indirect_dma source(%dma_start3A_190 : memref<100096x8xf32, #tpu.memory_space<hbm>>) target(%arg8 : memref<2000x8xf32, #tpu.memory_space<vmem>>) offsets(%dma_start3A_187 : memref<2000xi32, #tpu.memory_space<vmem>>) semaphore(%arg17 : memref<!tpu.dma_semaphore, #tpu.memory_space<semaphore_mem>>)
    }
    %scan3A_72 = arith.constant 24 : i32
    %add3A_73 = arith.constant 50 : i32
    %add3A_74 = arith.addi %mul3A_4, %add3A_73 : i32
    %sub3A = arith.constant 2 : i32
    %sub3A_75 = arith.subi %add3A_74, %sub3A : i32
    %dma_wait3A_76 = arith.constant 0 : i32
    %dma_wait3A_77 = arith.constant 0 : i32
    %dma_wait3A_78 = tpu.memref_slice %arg9[%dma_wait3A_76, %dma_wait3A_77] : memref<1x2000xi32, #tpu.memory_space<vmem>> -> memref<1x2000xi32, #tpu.memory_space<vmem>>
    %dma_wait3A_79 = tpu.memref_squeeze %dma_wait3A_78 : memref<1x2000xi32, #tpu.memory_space<vmem>> -> memref<2000xi32, #tpu.memory_space<vmem>>
    %dma_wait3A_80 = arith.constant 0 : i32
    %dma_wait3A_81 = arith.constant 0 : i32
    %dma_wait3A_82 = tpu.memref_slice %arg2[%dma_wait3A_80, %dma_wait3A_81] : memref<100096x8xf32, #tpu.memory_space<hbm>> -> memref<100096x8xf32, #tpu.memory_space<hbm>>
    tpu.wait_indirect_dma semaphore(%arg16 : memref<!tpu.dma_semaphore, #tpu.memory_space<semaphore_mem>>) src(%dma_wait3A_82 : memref<100096x8xf32, #tpu.memory_space<hbm>>) dst(%arg7 : memref<2000x8xf32, #tpu.memory_space<vmem>>)
    %run_scoped3A = arith.constant 0 : i32
    "tpu.region"() ({
      %run_scoped3A_99 = tpu.sem_alloc : memref<!tpu.dma_semaphore, #tpu.memory_space<semaphore_mem>>
      %dma_start3A_100 = arith.constant 0 : i32
      %dma_start3A_101 = tpu.memref_slice %arg10[%run_scoped3A, %dma_start3A_100] : memref<1x2000xi32, #tpu.memory_space<vmem>> -> memref<1x2000xi32, #tpu.memory_space<vmem>>
      %dma_start3A_102 = tpu.memref_squeeze %dma_start3A_101 : memref<1x2000xi32, #tpu.memory_space<vmem>> -> memref<2000xi32, #tpu.memory_space<vmem>>
      %dma_start3A_103 = arith.constant 0 : i32
      %dma_start3A_104 = arith.constant 0 : i32
      %dma_start3A_105 = tpu.memref_slice %arg13[%dma_start3A_103, %dma_start3A_104] : memref<100096x8xf32, #tpu.memory_space<vmem_shared>> -> memref<100096x8xf32, #tpu.memory_space<vmem_shared>>
      tpu.enqueue_indirect_dma source(%arg7 : memref<2000x8xf32, #tpu.memory_space<vmem>>) target(%dma_start3A_105 : memref<100096x8xf32, #tpu.memory_space<vmem_shared>>) offsets(%dma_start3A_102 : memref<2000xi32, #tpu.memory_space<vmem>>) semaphore(%run_scoped3A_99 : memref<!tpu.dma_semaphore, #tpu.memory_space<semaphore_mem>>) {add = true}
      %dma_wait3A_106 = arith.constant 0 : i32
      %dma_wait3A_107 = tpu.memref_slice %arg10[%run_scoped3A, %dma_wait3A_106] : memref<1x2000xi32, #tpu.memory_space<vmem>> -> memref<1x2000xi32, #tpu.memory_space<vmem>>
      %dma_wait3A_108 = tpu.memref_squeeze %dma_wait3A_107 : memref<1x2000xi32, #tpu.memory_space<vmem>> -> memref<2000xi32, #tpu.memory_space<vmem>>
      %dma_wait3A_109 = arith.constant 0 : i32
      %dma_wait3A_110 = arith.constant 0 : i32
      %dma_wait3A_111 = tpu.memref_slice %arg13[%dma_wait3A_109, %dma_wait3A_110] : memref<100096x8xf32, #tpu.memory_space<vmem_shared>> -> memref<100096x8xf32, #tpu.memory_space<vmem_shared>>
      tpu.wait_indirect_dma semaphore(%run_scoped3A_99 : memref<!tpu.dma_semaphore, #tpu.memory_space<semaphore_mem>>) src(%arg7 : memref<2000x8xf32, #tpu.memory_space<vmem>>) dst(%dma_wait3A_111 : memref<100096x8xf32, #tpu.memory_space<vmem_shared>>)
      tpu.yield
    }) : () -> ()
    %add3A_83 = arith.constant 50 : i32
    %add3A_84 = arith.addi %mul3A_4, %add3A_83 : i32
    %sub3A_85 = arith.constant 1 : i32
    %sub3A_86 = arith.subi %add3A_84, %sub3A_85 : i32
    %dma_wait3A_87 = arith.constant 0 : i32
    %dma_wait3A_88 = arith.constant 0 : i32
    %dma_wait3A_89 = tpu.memref_slice %arg11[%dma_wait3A_87, %dma_wait3A_88] : memref<1x2000xi32, #tpu.memory_space<vmem>> -> memref<1x2000xi32, #tpu.memory_space<vmem>>
    %dma_wait3A_90 = tpu.memref_squeeze %dma_wait3A_89 : memref<1x2000xi32, #tpu.memory_space<vmem>> -> memref<2000xi32, #tpu.memory_space<vmem>>
    %dma_wait3A_91 = arith.constant 0 : i32
    %dma_wait3A_92 = arith.constant 0 : i32
    %dma_wait3A_93 = tpu.memref_slice %arg2[%dma_wait3A_91, %dma_wait3A_92] : memref<100096x8xf32, #tpu.memory_space<hbm>> -> memref<100096x8xf32, #tpu.memory_space<hbm>>
    tpu.wait_indirect_dma semaphore(%arg17 : memref<!tpu.dma_semaphore, #tpu.memory_space<semaphore_mem>>) src(%dma_wait3A_93 : memref<100096x8xf32, #tpu.memory_space<hbm>>) dst(%arg8 : memref<2000x8xf32, #tpu.memory_space<vmem>>)
    %run_scoped3A_94 = arith.constant 0 : i32
    "tpu.region"() ({
      %run_scoped3A_99 = tpu.sem_alloc : memref<!tpu.dma_semaphore, #tpu.memory_space<semaphore_mem>>
      %dma_start3A_100 = arith.constant 0 : i32
      %dma_start3A_101 = tpu.memref_slice %arg12[%run_scoped3A_94, %dma_start3A_100] : memref<1x2000xi32, #tpu.memory_space<vmem>> -> memref<1x2000xi32, #tpu.memory_space<vmem>>
      %dma_start3A_102 = tpu.memref_squeeze %dma_start3A_101 : memref<1x2000xi32, #tpu.memory_space<vmem>> -> memref<2000xi32, #tpu.memory_space<vmem>>
      %dma_start3A_103 = arith.constant 0 : i32
      %dma_start3A_104 = arith.constant 0 : i32
      %dma_start3A_105 = tpu.memref_slice %arg13[%dma_start3A_103, %dma_start3A_104] : memref<100096x8xf32, #tpu.memory_space<vmem_shared>> -> memref<100096x8xf32, #tpu.memory_space<vmem_shared>>
      tpu.enqueue_indirect_dma source(%arg8 : memref<2000x8xf32, #tpu.memory_space<vmem>>) target(%dma_start3A_105 : memref<100096x8xf32, #tpu.memory_space<vmem_shared>>) offsets(%dma_start3A_102 : memref<2000xi32, #tpu.memory_space<vmem>>) semaphore(%run_scoped3A_99 : memref<!tpu.dma_semaphore, #tpu.memory_space<semaphore_mem>>) {add = true}
      %dma_wait3A_106 = arith.constant 0 : i32
      %dma_wait3A_107 = tpu.memref_slice %arg12[%run_scoped3A_94, %dma_wait3A_106] : memref<1x2000xi32, #tpu.memory_space<vmem>> -> memref<1x2000xi32, #tpu.memory_space<vmem>>
      %dma_wait3A_108 = tpu.memref_squeeze %dma_wait3A_107 : memref<1x2000xi32, #tpu.memory_space<vmem>> -> memref<2000xi32, #tpu.memory_space<vmem>>
      %dma_wait3A_109 = arith.constant 0 : i32
      %dma_wait3A_110 = arith.constant 0 : i32
      %dma_wait3A_111 = tpu.memref_slice %arg13[%dma_wait3A_109, %dma_wait3A_110] : memref<100096x8xf32, #tpu.memory_space<vmem_shared>> -> memref<100096x8xf32, #tpu.memory_space<vmem_shared>>
      tpu.wait_indirect_dma semaphore(%run_scoped3A_99 : memref<!tpu.dma_semaphore, #tpu.memory_space<semaphore_mem>>) src(%arg8 : memref<2000x8xf32, #tpu.memory_space<vmem>>) dst(%dma_wait3A_111 : memref<100096x8xf32, #tpu.memory_space<vmem_shared>>)
      tpu.yield
    }) : () -> ()
    %barrier3A_95 = arith.constant 0 : index
    tpu.barrier barrier_id(%barrier3A_95)
    %mul3A_96 = arith.constant 100096 : i32
    %mul3A_97 = arith.muli %arg0, %mul3A_96 : i32
    %add3A_98 = arith.addi %mul3A_97, %mul3A_0 : i32
    "tpu.region"() ({
      %run_scoped3A_99 = tpu.sem_alloc : memref<!tpu.dma_semaphore, #tpu.memory_space<semaphore_mem>>
      %dma_start3A_100 = arith.constant 0 : i32
      %dma_start3A_101 = tpu.memref_slice %arg6[%add3A_98, %dma_start3A_100] : memref<200192x8xf32, #tpu.memory_space<hbm>> -> memref<6256x8xf32, #tpu.memory_space<hbm>>
      %dma_start3A_102 = arith.constant 0 : i32
      %dma_start3A_103 = tpu.memref_slice %arg13[%mul3A_0, %dma_start3A_102] : memref<100096x8xf32, #tpu.memory_space<vmem_shared>> -> memref<6256x8xf32, #tpu.memory_space<vmem_shared>>
      tpu.enqueue_dma source(%dma_start3A_103 : memref<6256x8xf32, #tpu.memory_space<vmem_shared>>) target(%dma_start3A_101 : memref<6256x8xf32, #tpu.memory_space<hbm>>) target_semaphore(%run_scoped3A_99 : memref<!tpu.dma_semaphore, #tpu.memory_space<semaphore_mem>>)
      %dma_wait3A_104 = arith.constant 0 : i32
      %dma_wait3A_105 = tpu.memref_slice %arg6[%add3A_98, %dma_wait3A_104] : memref<200192x8xf32, #tpu.memory_space<hbm>> -> memref<6256x8xf32, #tpu.memory_space<hbm>>
      %dma_wait3A_106 = arith.constant 0 : i32
      %dma_wait3A_107 = tpu.memref_slice %arg13[%mul3A_0, %dma_wait3A_106] : memref<100096x8xf32, #tpu.memory_space<vmem_shared>> -> memref<6256x8xf32, #tpu.memory_space<vmem_shared>>
      tpu.wait_dma2 semaphore(%run_scoped3A_99 : memref<!tpu.dma_semaphore, #tpu.memory_space<semaphore_mem>>) src(%dma_wait3A_107 : memref<6256x8xf32, #tpu.memory_space<vmem_shared>>) dst(%dma_wait3A_105 : memref<6256x8xf32, #tpu.memory_space<hbm>>)
      tpu.yield
    }) : () -> ()
    return
  }
}

#map = affine_map<(d0, d1) -> (0, 0)>
module attributes {stable_mosaic.version = 14 : i64} {
  func.func @deg_kernel(%arg0: i32, %arg1: i32, %arg2: memref<1x3200000xi32, #tpu.memory_space<hbm>>, %arg3: memref<4000x8xf32, #tpu.memory_space<hbm>>, %arg4: memref<100096x8xf32, #tpu.memory_space<hbm>>, %arg5: memref<200192x8xf32, #tpu.memory_space<hbm>>, %arg6: memref<4000x8xf32, #tpu.memory_space<vmem>>, %arg7: memref<100096x8xf32, #tpu.memory_space<vmem_shared>>) attributes {dimension_semantics = [#tpu.dimension_semantics<core_parallel>, #tpu.dimension_semantics<subcore_parallel>], iteration_bounds = array<i64: 2, 16>, scalar_prefetch = 0 : i64, scratch_operands = 2 : i64, tpu.core_type = #tpu.core_type<sc_vector_subcore>, window_params = [{transform_indices = #map}, {transform_indices = #map}, {transform_indices = #map}, {transform_indices = #map}]} {
    %mul3A = arith.constant 6256 : i32
    %mul3A_0 = arith.muli %arg1, %mul3A : i32
    "tpu.region"() ({
      %run_scoped3A = tpu.sem_alloc : memref<!tpu.dma_semaphore, #tpu.memory_space<semaphore_mem>>
      %dma_start3A = arith.constant 0 : i32
      %dma_start3A_13 = tpu.memref_slice %arg7[%mul3A_0, %dma_start3A] : memref<100096x8xf32, #tpu.memory_space<vmem_shared>> -> memref<6256x8xf32, #tpu.memory_space<vmem_shared>>
      %dma_start3A_14 = arith.constant 0 : i32
      %dma_start3A_15 = tpu.memref_slice %arg4[%mul3A_0, %dma_start3A_14] : memref<100096x8xf32, #tpu.memory_space<hbm>> -> memref<6256x8xf32, #tpu.memory_space<hbm>>
      tpu.enqueue_dma source(%dma_start3A_15 : memref<6256x8xf32, #tpu.memory_space<hbm>>) target(%dma_start3A_13 : memref<6256x8xf32, #tpu.memory_space<vmem_shared>>) target_semaphore(%run_scoped3A : memref<!tpu.dma_semaphore, #tpu.memory_space<semaphore_mem>>)
      %dma_wait3A = arith.constant 0 : i32
      %dma_wait3A_16 = tpu.memref_slice %arg7[%mul3A_0, %dma_wait3A] : memref<100096x8xf32, #tpu.memory_space<vmem_shared>> -> memref<6256x8xf32, #tpu.memory_space<vmem_shared>>
      %dma_wait3A_17 = arith.constant 0 : i32
      %dma_wait3A_18 = tpu.memref_slice %arg4[%mul3A_0, %dma_wait3A_17] : memref<100096x8xf32, #tpu.memory_space<hbm>> -> memref<6256x8xf32, #tpu.memory_space<hbm>>
      tpu.wait_dma2 semaphore(%run_scoped3A : memref<!tpu.dma_semaphore, #tpu.memory_space<semaphore_mem>>) src(%dma_wait3A_18 : memref<6256x8xf32, #tpu.memory_space<hbm>>) dst(%dma_wait3A_16 : memref<6256x8xf32, #tpu.memory_space<vmem_shared>>)
      tpu.yield
    }) : () -> ()
    "tpu.region"() ({
      %run_scoped3A = tpu.sem_alloc : memref<!tpu.dma_semaphore, #tpu.memory_space<semaphore_mem>>
      tpu.enqueue_dma source(%arg3 : memref<4000x8xf32, #tpu.memory_space<hbm>>) target(%arg6 : memref<4000x8xf32, #tpu.memory_space<vmem>>) target_semaphore(%run_scoped3A : memref<!tpu.dma_semaphore, #tpu.memory_space<semaphore_mem>>)
      tpu.wait_dma2 semaphore(%run_scoped3A : memref<!tpu.dma_semaphore, #tpu.memory_space<semaphore_mem>>) src(%arg3 : memref<4000x8xf32, #tpu.memory_space<hbm>>) dst(%arg6 : memref<4000x8xf32, #tpu.memory_space<vmem>>)
      tpu.yield
    }) : () -> ()
    %barrier3A = arith.constant 0 : index
    tpu.barrier barrier_id(%barrier3A)
    %mul3A_1 = arith.constant 1 : i32
    %mul3A_2 = arith.muli %arg1, %mul3A_1 : i32
    %add3A = arith.constant 0 : i32
    %add3A_3 = arith.addi %add3A, %mul3A_2 : i32
    %mul3A_4 = arith.constant 16 : i32
    %mul3A_5 = arith.muli %arg0, %mul3A_4 : i32
    %add3A_6 = arith.addi %add3A_3, %mul3A_5 : i32
    %mul3A_7 = arith.constant 25 : i32
    %mul3A_8 = arith.muli %add3A_6, %mul3A_7 : i32
    "tpu.region"() ({
      %run_scoped3A = memref.alloca() : memref<2x1x4000xi32, #tpu.memory_space<vmem>>
      %run_scoped3A_13 = tpu.sem_alloc : memref<2x!tpu.dma_semaphore, #tpu.memory_space<semaphore_mem>>
      %add3A_14 = arith.constant 0 : i32
      %add3A_15 = arith.addi %add3A_14, %mul3A_8 : i32
      %select_n3A = arith.constant true
      %select_n3A_16 = arith.constant 0 : i32
      %select_n3A_17 = arith.constant -1 : i32
      %select_n3A_18 = arith.select %select_n3A, %select_n3A_17, %select_n3A_16 : i32
      %eq3A = arith.constant -1 : i32
      %eq3A_19 = arith.cmpi eq, %select_n3A_18, %eq3A : i32
      %select_n3A_20 = arith.constant 24 : i32
      %select_n3A_21 = arith.select %eq3A_19, %select_n3A_20, %select_n3A_18 : i32
      %add3A_22 = arith.addi %select_n3A_21, %mul3A_8 : i32
      %select_n3A_23 = arith.constant true
      %select_n3A_24 = arith.constant 0 : i32
      %select_n3A_25 = arith.constant 1 : i32
      %select_n3A_26 = arith.select %select_n3A_23, %select_n3A_25, %select_n3A_24 : i32
      %eq3A_27 = arith.constant 25 : i32
      %eq3A_28 = arith.cmpi eq, %select_n3A_26, %eq3A_27 : i32
      %select_n3A_29 = arith.constant 0 : i32
      %select_n3A_30 = arith.select %eq3A_28, %select_n3A_29, %select_n3A_26 : i32
      %add3A_31 = arith.addi %select_n3A_30, %mul3A_8 : i32
      %add3A_32 = arith.constant 1 : i32
      %add3A_33 = arith.addi %select_n3A_30, %add3A_32 : i32
      %select_n3A_34 = arith.constant true
      %select_n3A_35 = arith.select %select_n3A_34, %add3A_33, %select_n3A_30 : i32
      %eq3A_36 = arith.constant 25 : i32
      %eq3A_37 = arith.cmpi eq, %select_n3A_35, %eq3A_36 : i32
      %select_n3A_38 = arith.constant 0 : i32
      %select_n3A_39 = arith.select %eq3A_37, %select_n3A_38, %select_n3A_35 : i32
      %add3A_40 = arith.addi %select_n3A_39, %mul3A_8 : i32
      "tpu.trace_start"() <{level = 10 : i32, message = "ep_initialize_0"}> : () -> ()
      %rem3A = arith.constant 0 : i32
      %rem3A_41 = arith.constant 2 : i32
      %rem3A_42 = arith.remui %rem3A, %rem3A_41 : i32
      %mul3A_43 = arith.constant 4000 : i32
      %mul3A_44 = arith.muli %mul3A_43, %add3A_15 : i32
      %dma_start3A = arith.constant 0 : i32
      %dma_start3A_45 = arith.constant 0 : i32
      %dma_start3A_46 = tpu.memref_slice %run_scoped3A[%rem3A_42, %dma_start3A, %dma_start3A_45] : memref<2x1x4000xi32, #tpu.memory_space<vmem>> -> memref<1x1x4000xi32, #tpu.memory_space<vmem>>
      %dma_start3A_47 = tpu.memref_squeeze %dma_start3A_46 : memref<1x1x4000xi32, #tpu.memory_space<vmem>> -> memref<1x4000xi32, #tpu.memory_space<vmem>>
      %dma_start3A_48 = arith.constant 0 : i32
      %dma_start3A_49 = tpu.memref_slice %arg2[%dma_start3A_48, %mul3A_44] : memref<1x3200000xi32, #tpu.memory_space<hbm>> -> memref<1x4000xi32, #tpu.memory_space<hbm>>
      %dma_start3A_50 = tpu.memref_slice %run_scoped3A_13[%rem3A_42] : memref<2x!tpu.dma_semaphore, #tpu.memory_space<semaphore_mem>> -> memref<1x!tpu.dma_semaphore, #tpu.memory_space<semaphore_mem>>
      %dma_start3A_51 = tpu.memref_squeeze %dma_start3A_50 : memref<1x!tpu.dma_semaphore, #tpu.memory_space<semaphore_mem>> -> memref<!tpu.dma_semaphore, #tpu.memory_space<semaphore_mem>>
      %dma_start3A_52 = arith.constant 0 : i32
      %dma_start3A_53 = arith.constant 0 : i32
      %dma_start3A_54 = tpu.memref_slice %run_scoped3A[%rem3A_42, %dma_start3A_52, %dma_start3A_53] : memref<2x1x4000xi32, #tpu.memory_space<vmem>> -> memref<1x1x4000xi32, #tpu.memory_space<vmem>>
      %dma_start3A_55 = tpu.memref_squeeze %dma_start3A_54 : memref<1x1x4000xi32, #tpu.memory_space<vmem>> -> memref<1x4000xi32, #tpu.memory_space<vmem>>
      %dma_start3A_56 = arith.constant 0 : i32
      %dma_start3A_57 = tpu.memref_slice %arg2[%dma_start3A_56, %mul3A_44] : memref<1x3200000xi32, #tpu.memory_space<hbm>> -> memref<1x4000xi32, #tpu.memory_space<hbm>>
      tpu.enqueue_dma source(%dma_start3A_57 : memref<1x4000xi32, #tpu.memory_space<hbm>>) target(%dma_start3A_55 : memref<1x4000xi32, #tpu.memory_space<vmem>>) target_semaphore(%dma_start3A_51 : memref<!tpu.dma_semaphore, #tpu.memory_space<semaphore_mem>>)
      %add3A_58 = arith.constant 0 : i32
      %add3A_59 = arith.constant 1 : i32
      %add3A_60 = arith.addi %add3A_58, %add3A_59 : i32
      %select_n3A_61 = arith.constant true
      %select_n3A_62 = arith.constant 0 : i32
      %select_n3A_63 = arith.select %select_n3A_61, %add3A_60, %select_n3A_62 : i32
      "tpu.trace_stop"() : () -> ()
      %scan3A = arith.constant 0 : i32
      %scan3A_64 = arith.constant 0 : i32
      %scan3A_65 = arith.constant 0 : i32
      %scan3A_66 = arith.constant 25 : i32
      %scan3A_67 = arith.addi %scan3A_65, %scan3A_66 : i32
      %scan3A_68 = arith.constant 1 : i32
      %scan3A_69:3 = scf.for %scan3A_106 = %scan3A_65 to %scan3A_67 step %scan3A_68 iter_args(%scan3A_107 = %select_n3A_63, %scan3A_108 = %scan3A, %scan3A_109 = %scan3A_64) -> (i32, i32, i32)  : i32 {
        %eq3A_110 = arith.constant 0 : i32
        %eq3A_111 = arith.cmpi eq, %scan3A_106, %eq3A_110 : i32
        %eq3A_112 = arith.constant 24 : i32
        %eq3A_113 = arith.cmpi eq, %scan3A_106, %eq3A_112 : i32
        %add3A_114 = arith.addi %scan3A_109, %mul3A_8 : i32
        %sub3A_115 = arith.constant 1 : i32
        %sub3A_116 = arith.subi %scan3A_109, %sub3A_115 : i32
        %select_n3A_117 = arith.constant true
        %select_n3A_118 = arith.select %select_n3A_117, %sub3A_116, %scan3A_109 : i32
        %eq3A_119 = arith.constant -1 : i32
        %eq3A_120 = arith.cmpi eq, %select_n3A_118, %eq3A_119 : i32
        %select_n3A_121 = arith.constant 24 : i32
        %select_n3A_122 = arith.select %eq3A_120, %select_n3A_121, %select_n3A_118 : i32
        %add3A_123 = arith.addi %select_n3A_122, %mul3A_8 : i32
        %add3A_124 = arith.constant 1 : i32
        %add3A_125 = arith.addi %scan3A_109, %add3A_124 : i32
        %select_n3A_126 = arith.constant true
        %select_n3A_127 = arith.select %select_n3A_126, %add3A_125, %scan3A_109 : i32
        %eq3A_128 = arith.constant 25 : i32
        %eq3A_129 = arith.cmpi eq, %select_n3A_127, %eq3A_128 : i32
        %select_n3A_130 = arith.constant 0 : i32
        %select_n3A_131 = arith.select %eq3A_129, %select_n3A_130, %select_n3A_127 : i32
        %add3A_132 = arith.addi %select_n3A_131, %mul3A_8 : i32
        %add3A_133 = arith.constant 1 : i32
        %add3A_134 = arith.addi %select_n3A_131, %add3A_133 : i32
        %select_n3A_135 = arith.constant true
        %select_n3A_136 = arith.select %select_n3A_135, %add3A_134, %select_n3A_131 : i32
        %eq3A_137 = arith.constant 25 : i32
        %eq3A_138 = arith.cmpi eq, %select_n3A_136, %eq3A_137 : i32
        %select_n3A_139 = arith.constant 0 : i32
        %select_n3A_140 = arith.select %eq3A_138, %select_n3A_139, %select_n3A_136 : i32
        %add3A_141 = arith.addi %select_n3A_140, %mul3A_8 : i32
        %ne3A = arith.cmpi ne, %add3A_114, %add3A_132 : i32
        %or3A = arith.constant false
        %or3A_142 = arith.ori %or3A, %ne3A : i1
        %ge3A = arith.constant 24 : i32
        %ge3A_143 = arith.cmpi sge, %scan3A_106, %ge3A : i32
        %not3A = arith.constant true
        %not3A_144 = arith.xori %ge3A_143, %not3A : i1
        %and3A = arith.andi %or3A_142, %not3A_144 : i1
        %convert_element_type3A = arith.extui %and3A : i1 to i32
        %cond3A = arith.constant 0 : i32
        %cond3A_145 = arith.cmpi ne, %convert_element_type3A, %cond3A : i32
        scf.if %cond3A_145 {
          "tpu.trace_start"() <{level = 10 : i32, message = "ep_copy_in"}> : () -> ()
          %rem3A_196 = arith.constant 2 : i32
          %rem3A_197 = arith.remui %scan3A_107, %rem3A_196 : i32
          %mul3A_198 = arith.constant 4000 : i32
          %mul3A_199 = arith.muli %mul3A_198, %add3A_132 : i32
          %dma_start3A_200 = arith.constant 0 : i32
          %dma_start3A_201 = arith.constant 0 : i32
          %dma_start3A_202 = tpu.memref_slice %run_scoped3A[%rem3A_197, %dma_start3A_200, %dma_start3A_201] : memref<2x1x4000xi32, #tpu.memory_space<vmem>> -> memref<1x1x4000xi32, #tpu.memory_space<vmem>>
          %dma_start3A_203 = tpu.memref_squeeze %dma_start3A_202 : memref<1x1x4000xi32, #tpu.memory_space<vmem>> -> memref<1x4000xi32, #tpu.memory_space<vmem>>
          %dma_start3A_204 = arith.constant 0 : i32
          %dma_start3A_205 = tpu.memref_slice %arg2[%dma_start3A_204, %mul3A_199] : memref<1x3200000xi32, #tpu.memory_space<hbm>> -> memref<1x4000xi32, #tpu.memory_space<hbm>>
          %dma_start3A_206 = tpu.memref_slice %run_scoped3A_13[%rem3A_197] : memref<2x!tpu.dma_semaphore, #tpu.memory_space<semaphore_mem>> -> memref<1x!tpu.dma_semaphore, #tpu.memory_space<semaphore_mem>>
          %dma_start3A_207 = tpu.memref_squeeze %dma_start3A_206 : memref<1x!tpu.dma_semaphore, #tpu.memory_space<semaphore_mem>> -> memref<!tpu.dma_semaphore, #tpu.memory_space<semaphore_mem>>
          %dma_start3A_208 = arith.constant 0 : i32
          %dma_start3A_209 = arith.constant 0 : i32
          %dma_start3A_210 = tpu.memref_slice %run_scoped3A[%rem3A_197, %dma_start3A_208, %dma_start3A_209] : memref<2x1x4000xi32, #tpu.memory_space<vmem>> -> memref<1x1x4000xi32, #tpu.memory_space<vmem>>
          %dma_start3A_211 = tpu.memref_squeeze %dma_start3A_210 : memref<1x1x4000xi32, #tpu.memory_space<vmem>> -> memref<1x4000xi32, #tpu.memory_space<vmem>>
          %dma_start3A_212 = arith.constant 0 : i32
          %dma_start3A_213 = tpu.memref_slice %arg2[%dma_start3A_212, %mul3A_199] : memref<1x3200000xi32, #tpu.memory_space<hbm>> -> memref<1x4000xi32, #tpu.memory_space<hbm>>
          tpu.enqueue_dma source(%dma_start3A_213 : memref<1x4000xi32, #tpu.memory_space<hbm>>) target(%dma_start3A_211 : memref<1x4000xi32, #tpu.memory_space<vmem>>) target_semaphore(%dma_start3A_207 : memref<!tpu.dma_semaphore, #tpu.memory_space<semaphore_mem>>)
          "tpu.trace_stop"() : () -> ()
        } else {
        }
        %and3A_146 = arith.constant true
        %and3A_147 = arith.andi %and3A, %and3A_146 : i1
        %add3A_148 = arith.constant 1 : i32
        %add3A_149 = arith.addi %scan3A_107, %add3A_148 : i32
        %select_n3A_150 = arith.select %and3A_147, %add3A_149, %scan3A_107 : i32
        %ne3A_151 = arith.cmpi ne, %add3A_114, %add3A_123 : i32
        %or3A_152 = arith.constant false
        %or3A_153 = arith.ori %or3A_152, %ne3A_151 : i1
        %or3A_154 = arith.ori %or3A_153, %eq3A_111 : i1
        %convert_element_type3A_155 = arith.extui %or3A_154 : i1 to i32
        %cond3A_156 = arith.constant 0 : i32
        %cond3A_157 = arith.cmpi ne, %convert_element_type3A_155, %cond3A_156 : i32
        scf.if %cond3A_157 {
          "tpu.trace_start"() <{level = 10 : i32, message = "ep_wait_in"}> : () -> ()
          %mul3A_196 = arith.constant 4000 : i32
          %mul3A_197 = arith.muli %mul3A_196, %add3A_114 : i32
          %rem3A_198 = arith.constant 2 : i32
          %rem3A_199 = arith.remui %scan3A_108, %rem3A_198 : i32
          %dma_wait3A = arith.constant 0 : i32
          %dma_wait3A_200 = arith.constant 0 : i32
          %dma_wait3A_201 = tpu.memref_slice %run_scoped3A[%rem3A_199, %dma_wait3A, %dma_wait3A_200] : memref<2x1x4000xi32, #tpu.memory_space<vmem>> -> memref<1x1x4000xi32, #tpu.memory_space<vmem>>
          %dma_wait3A_202 = tpu.memref_squeeze %dma_wait3A_201 : memref<1x1x4000xi32, #tpu.memory_space<vmem>> -> memref<1x4000xi32, #tpu.memory_space<vmem>>
          %dma_wait3A_203 = arith.constant 0 : i32
          %dma_wait3A_204 = tpu.memref_slice %arg2[%dma_wait3A_203, %mul3A_197] : memref<1x3200000xi32, #tpu.memory_space<hbm>> -> memref<1x4000xi32, #tpu.memory_space<hbm>>
          %dma_wait3A_205 = tpu.memref_slice %run_scoped3A_13[%rem3A_199] : memref<2x!tpu.dma_semaphore, #tpu.memory_space<semaphore_mem>> -> memref<1x!tpu.dma_semaphore, #tpu.memory_space<semaphore_mem>>
          %dma_wait3A_206 = tpu.memref_squeeze %dma_wait3A_205 : memref<1x!tpu.dma_semaphore, #tpu.memory_space<semaphore_mem>> -> memref<!tpu.dma_semaphore, #tpu.memory_space<semaphore_mem>>
          %dma_wait3A_207 = arith.constant 0 : i32
          %dma_wait3A_208 = arith.constant 0 : i32
          %dma_wait3A_209 = tpu.memref_slice %run_scoped3A[%rem3A_199, %dma_wait3A_207, %dma_wait3A_208] : memref<2x1x4000xi32, #tpu.memory_space<vmem>> -> memref<1x1x4000xi32, #tpu.memory_space<vmem>>
          %dma_wait3A_210 = tpu.memref_squeeze %dma_wait3A_209 : memref<1x1x4000xi32, #tpu.memory_space<vmem>> -> memref<1x4000xi32, #tpu.memory_space<vmem>>
          %dma_wait3A_211 = arith.constant 0 : i32
          %dma_wait3A_212 = tpu.memref_slice %arg2[%dma_wait3A_211, %mul3A_197] : memref<1x3200000xi32, #tpu.memory_space<hbm>> -> memref<1x4000xi32, #tpu.memory_space<hbm>>
          tpu.wait_dma2 semaphore(%dma_wait3A_206 : memref<!tpu.dma_semaphore, #tpu.memory_space<semaphore_mem>>) src(%dma_wait3A_212 : memref<1x4000xi32, #tpu.memory_space<hbm>>) dst(%dma_wait3A_210 : memref<1x4000xi32, #tpu.memory_space<vmem>>)
          "tpu.trace_stop"() : () -> ()
        } else {
        }
        %rem3A_158 = arith.constant 2 : i32
        %rem3A_159 = arith.remui %scan3A_108, %rem3A_158 : i32
        %run_scoped3A_160 = arith.constant 0 : i32
        "tpu.trace_start"() <{level = 10 : i32, message = "ep_run_kernel"}> : () -> ()
        "tpu.region"() ({
          %run_scoped3A_196 = tpu.sem_alloc : memref<!tpu.dma_semaphore, #tpu.memory_space<semaphore_mem>>
          %dma_start3A_197 = arith.constant 0 : i32
          %dma_start3A_198 = arith.constant 0 : i32
          %dma_start3A_199 = tpu.memref_slice %run_scoped3A[%rem3A_159, %dma_start3A_197, %dma_start3A_198] : memref<2x1x4000xi32, #tpu.memory_space<vmem>> -> memref<1x1x4000xi32, #tpu.memory_space<vmem>>
          %dma_start3A_200 = tpu.memref_squeeze %dma_start3A_199 : memref<1x1x4000xi32, #tpu.memory_space<vmem>> -> memref<1x4000xi32, #tpu.memory_space<vmem>>
          %dma_start3A_201 = arith.constant 0 : i32
          %dma_start3A_202 = tpu.memref_slice %dma_start3A_200[%run_scoped3A_160, %dma_start3A_201] : memref<1x4000xi32, #tpu.memory_space<vmem>> -> memref<1x4000xi32, #tpu.memory_space<vmem>>
          %dma_start3A_203 = tpu.memref_squeeze %dma_start3A_202 : memref<1x4000xi32, #tpu.memory_space<vmem>> -> memref<4000xi32, #tpu.memory_space<vmem>>
          %dma_start3A_204 = arith.constant 0 : i32
          %dma_start3A_205 = arith.constant 0 : i32
          %dma_start3A_206 = tpu.memref_slice %arg7[%dma_start3A_204, %dma_start3A_205] : memref<100096x8xf32, #tpu.memory_space<vmem_shared>> -> memref<100096x8xf32, #tpu.memory_space<vmem_shared>>
          tpu.enqueue_indirect_dma source(%arg6 : memref<4000x8xf32, #tpu.memory_space<vmem>>) target(%dma_start3A_206 : memref<100096x8xf32, #tpu.memory_space<vmem_shared>>) offsets(%dma_start3A_203 : memref<4000xi32, #tpu.memory_space<vmem>>) semaphore(%run_scoped3A_196 : memref<!tpu.dma_semaphore, #tpu.memory_space<semaphore_mem>>) {add = true}
          %dma_wait3A = arith.constant 0 : i32
          %dma_wait3A_207 = arith.constant 0 : i32
          %dma_wait3A_208 = tpu.memref_slice %run_scoped3A[%rem3A_159, %dma_wait3A, %dma_wait3A_207] : memref<2x1x4000xi32, #tpu.memory_space<vmem>> -> memref<1x1x4000xi32, #tpu.memory_space<vmem>>
          %dma_wait3A_209 = tpu.memref_squeeze %dma_wait3A_208 : memref<1x1x4000xi32, #tpu.memory_space<vmem>> -> memref<1x4000xi32, #tpu.memory_space<vmem>>
          %dma_wait3A_210 = arith.constant 0 : i32
          %dma_wait3A_211 = tpu.memref_slice %dma_wait3A_209[%run_scoped3A_160, %dma_wait3A_210] : memref<1x4000xi32, #tpu.memory_space<vmem>> -> memref<1x4000xi32, #tpu.memory_space<vmem>>
          %dma_wait3A_212 = tpu.memref_squeeze %dma_wait3A_211 : memref<1x4000xi32, #tpu.memory_space<vmem>> -> memref<4000xi32, #tpu.memory_space<vmem>>
          %dma_wait3A_213 = arith.constant 0 : i32
          %dma_wait3A_214 = arith.constant 0 : i32
          %dma_wait3A_215 = tpu.memref_slice %arg7[%dma_wait3A_213, %dma_wait3A_214] : memref<100096x8xf32, #tpu.memory_space<vmem_shared>> -> memref<100096x8xf32, #tpu.memory_space<vmem_shared>>
          tpu.wait_indirect_dma semaphore(%run_scoped3A_196 : memref<!tpu.dma_semaphore, #tpu.memory_space<semaphore_mem>>) src(%arg6 : memref<4000x8xf32, #tpu.memory_space<vmem>>) dst(%dma_wait3A_215 : memref<100096x8xf32, #tpu.memory_space<vmem_shared>>)
          tpu.yield
        }) : () -> ()
        "tpu.trace_stop"() : () -> ()
        %ne3A_161 = arith.cmpi ne, %add3A_114, %add3A_132 : i32
        %or3A_162 = arith.constant false
        %or3A_163 = arith.ori %or3A_162, %ne3A_161 : i1
        %or3A_164 = arith.ori %or3A_163, %eq3A_113 : i1
        %convert_element_type3A_165 = arith.extui %or3A_164 : i1 to i32
        %cond3A_166 = arith.constant 0 : i32
        %cond3A_167 = arith.cmpi ne, %convert_element_type3A_165, %cond3A_166 : i32
        scf.if %cond3A_167 {
        } else {
        }
        %and3A_168 = arith.constant false
        %and3A_169 = arith.andi %or3A_164, %and3A_168 : i1
        %ne3A_170 = arith.cmpi ne, %add3A_114, %add3A_123 : i32
        %or3A_171 = arith.constant false
        %or3A_172 = arith.ori %or3A_171, %ne3A_170 : i1
        %not3A_173 = arith.constant true
        %not3A_174 = arith.xori %eq3A_111, %not3A_173 : i1
        %and3A_175 = arith.andi %or3A_172, %not3A_174 : i1
        %convert_element_type3A_176 = arith.extui %and3A_175 : i1 to i32
        %cond3A_177 = arith.constant 0 : i32
        %cond3A_178 = arith.cmpi ne, %convert_element_type3A_176, %cond3A_177 : i32
        scf.if %cond3A_178 {
        } else {
        }
        %and3A_179 = arith.constant false
        %and3A_180 = arith.andi %and3A_175, %and3A_179 : i1
        %ne3A_181 = arith.cmpi ne, %add3A_114, %add3A_132 : i32
        %or3A_182 = arith.constant false
        %or3A_183 = arith.ori %or3A_182, %ne3A_181 : i1
        %or3A_184 = arith.ori %or3A_183, %eq3A_113 : i1
        %add3A_185 = arith.constant 1 : i32
        %add3A_186 = arith.addi %scan3A_108, %add3A_185 : i32
        %select_n3A_187 = arith.select %or3A_184, %add3A_186, %scan3A_108 : i32
        %add3A_188 = arith.constant 1 : i32
        %add3A_189 = arith.addi %scan3A_109, %add3A_188 : i32
        %select_n3A_190 = arith.constant true
        %select_n3A_191 = arith.select %select_n3A_190, %add3A_189, %scan3A_109 : i32
        %eq3A_192 = arith.constant 25 : i32
        %eq3A_193 = arith.cmpi eq, %select_n3A_191, %eq3A_192 : i32
        %select_n3A_194 = arith.constant 0 : i32
        %select_n3A_195 = arith.select %eq3A_193, %select_n3A_194, %select_n3A_191 : i32
        scf.yield %select_n3A_150, %select_n3A_187, %select_n3A_195 : i32, i32, i32
      }
      %scan3A_70 = arith.constant 25 : i32
      %sub3A = arith.constant 1 : i32
      %sub3A_71 = arith.subi %scan3A_69#2, %sub3A : i32
      %select_n3A_72 = arith.constant true
      %select_n3A_73 = arith.select %select_n3A_72, %sub3A_71, %scan3A_69#2 : i32
      %eq3A_74 = arith.constant -1 : i32
      %eq3A_75 = arith.cmpi eq, %select_n3A_73, %eq3A_74 : i32
      %select_n3A_76 = arith.constant 24 : i32
      %select_n3A_77 = arith.select %eq3A_75, %select_n3A_76, %select_n3A_73 : i32
      %add3A_78 = arith.addi %select_n3A_77, %mul3A_8 : i32
      %sub3A_79 = arith.constant 1 : i32
      %sub3A_80 = arith.subi %select_n3A_77, %sub3A_79 : i32
      %select_n3A_81 = arith.constant true
      %select_n3A_82 = arith.select %select_n3A_81, %sub3A_80, %select_n3A_77 : i32
      %eq3A_83 = arith.constant -1 : i32
      %eq3A_84 = arith.cmpi eq, %select_n3A_82, %eq3A_83 : i32
      %select_n3A_85 = arith.constant 24 : i32
      %select_n3A_86 = arith.select %eq3A_84, %select_n3A_85, %select_n3A_82 : i32
      %add3A_87 = arith.addi %select_n3A_86, %mul3A_8 : i32
      %add3A_88 = arith.constant 1 : i32
      %add3A_89 = arith.addi %select_n3A_77, %add3A_88 : i32
      %select_n3A_90 = arith.constant true
      %select_n3A_91 = arith.select %select_n3A_90, %add3A_89, %select_n3A_77 : i32
      %eq3A_92 = arith.constant 25 : i32
      %eq3A_93 = arith.cmpi eq, %select_n3A_91, %eq3A_92 : i32
      %select_n3A_94 = arith.constant 0 : i32
      %select_n3A_95 = arith.select %eq3A_93, %select_n3A_94, %select_n3A_91 : i32
      %add3A_96 = arith.addi %select_n3A_95, %mul3A_8 : i32
      %add3A_97 = arith.constant 1 : i32
      %add3A_98 = arith.addi %select_n3A_95, %add3A_97 : i32
      %select_n3A_99 = arith.constant true
      %select_n3A_100 = arith.select %select_n3A_99, %add3A_98, %select_n3A_95 : i32
      %eq3A_101 = arith.constant 25 : i32
      %eq3A_102 = arith.cmpi eq, %select_n3A_100, %eq3A_101 : i32
      %select_n3A_103 = arith.constant 0 : i32
      %select_n3A_104 = arith.select %eq3A_102, %select_n3A_103, %select_n3A_100 : i32
      %add3A_105 = arith.addi %select_n3A_104, %mul3A_8 : i32
      tpu.yield
    }) : () -> ()
    %barrier3A_9 = arith.constant 0 : index
    tpu.barrier barrier_id(%barrier3A_9)
    %mul3A_10 = arith.constant 100096 : i32
    %mul3A_11 = arith.muli %arg0, %mul3A_10 : i32
    %add3A_12 = arith.addi %mul3A_11, %mul3A_0 : i32
    "tpu.region"() ({
      %run_scoped3A = tpu.sem_alloc : memref<!tpu.dma_semaphore, #tpu.memory_space<semaphore_mem>>
      %dma_start3A = arith.constant 0 : i32
      %dma_start3A_13 = tpu.memref_slice %arg5[%add3A_12, %dma_start3A] : memref<200192x8xf32, #tpu.memory_space<hbm>> -> memref<6256x8xf32, #tpu.memory_space<hbm>>
      %dma_start3A_14 = arith.constant 0 : i32
      %dma_start3A_15 = tpu.memref_slice %arg7[%mul3A_0, %dma_start3A_14] : memref<100096x8xf32, #tpu.memory_space<vmem_shared>> -> memref<6256x8xf32, #tpu.memory_space<vmem_shared>>
      tpu.enqueue_dma source(%dma_start3A_15 : memref<6256x8xf32, #tpu.memory_space<vmem_shared>>) target(%dma_start3A_13 : memref<6256x8xf32, #tpu.memory_space<hbm>>) target_semaphore(%run_scoped3A : memref<!tpu.dma_semaphore, #tpu.memory_space<semaphore_mem>>)
      %dma_wait3A = arith.constant 0 : i32
      %dma_wait3A_16 = tpu.memref_slice %arg5[%add3A_12, %dma_wait3A] : memref<200192x8xf32, #tpu.memory_space<hbm>> -> memref<6256x8xf32, #tpu.memory_space<hbm>>
      %dma_wait3A_17 = arith.constant 0 : i32
      %dma_wait3A_18 = tpu.memref_slice %arg7[%mul3A_0, %dma_wait3A_17] : memref<100096x8xf32, #tpu.memory_space<vmem_shared>> -> memref<6256x8xf32, #tpu.memory_space<vmem_shared>>
      tpu.wait_dma2 semaphore(%run_scoped3A : memref<!tpu.dma_semaphore, #tpu.memory_space<semaphore_mem>>) src(%dma_wait3A_18 : memref<6256x8xf32, #tpu.memory_space<vmem_shared>>) dst(%dma_wait3A_16 : memref<6256x8xf32, #tpu.memory_space<hbm>>)
      tpu.yield
    }) : () -> ()
    return
  }
}

module attributes {stable_mosaic.version = 14 : i64} {
  func.func @_tc1_body(%arg0: i32, %arg1: memref<368x128xf32, #tpu.memory_space<vmem>>, %arg2: memref<368x128xf32, #tpu.memory_space<vmem>>, %arg3: memref<368x128xf32, #tpu.memory_space<vmem>>, %arg4: memref<1x128xf32, #tpu.memory_space<vmem>>, %arg5: memref<368x128xf32, #tpu.memory_space<vmem>>, %arg6: memref<368x128xf32, #tpu.memory_space<vmem>>) attributes {dimension_semantics = [#tpu.dimension_semantics<arbitrary>], iteration_bounds = array<i64: 17>, scalar_prefetch = 0 : i64, scratch_operands = 0 : i64, tpu.core_type = #tpu.core_type<tc>, window_params = [{transform_indices = @transform_0, window_bounds = array<i64: 368, 128>}, {transform_indices = @transform_1, window_bounds = array<i64: 368, 128>}, {transform_indices = @transform_2, window_bounds = array<i64: 368, 128>}, {pipeline_mode = #tpu.pipeline_mode<synchronous>, transform_indices = @transform_3, window_bounds = array<i64: 1, 128>}, {transform_indices = @transform_4, window_bounds = array<i64: 368, 128>}, {transform_indices = @transform_5, window_bounds = array<i64: 368, 128>}]} {
    %get3A = arith.constant 0 : index
    %get3A_0 = arith.constant 0 : index
    %get3A_1 = vector.load %arg1[%get3A, %get3A_0] : memref<368x128xf32, #tpu.memory_space<vmem>>, vector<368x128xf32>
    %get3A_2 = arith.constant 0 : index
    %get3A_3 = arith.constant 0 : index
    %get3A_4 = vector.load %arg2[%get3A_2, %get3A_3] : memref<368x128xf32, #tpu.memory_space<vmem>>, vector<368x128xf32>
    %add3A = arith.addf %get3A_1, %get3A_4 : vector<368x128xf32>
    %add3A_5 = arith.constant 1.000000e+00 : f32
    %add3A_6 = vector.broadcast %add3A_5 : f32 to vector<368x128xf32>
    %add3A_7 = arith.addf %add3A, %add3A_6 : vector<368x128xf32>
    %rsqrt3A = math.rsqrt %add3A_7 : vector<368x128xf32>
    %swap3A = arith.constant 0 : index
    %swap3A_8 = arith.constant 0 : index
    %swap3A_9 = vector.load %arg6[%swap3A, %swap3A_8] : memref<368x128xf32, #tpu.memory_space<vmem>>, vector<368x128xf32>
    tpu.vector_store %arg6[%swap3A, %swap3A_8], %rsqrt3A {strides = array<i32>} : memref<368x128xf32, #tpu.memory_space<vmem>>, vector<368x128xf32>,
    %get3A_10 = arith.constant 0 : index
    %get3A_11 = arith.constant 0 : index
    %get3A_12 = vector.load %arg3[%get3A_10, %get3A_11] : memref<368x128xf32, #tpu.memory_space<vmem>>, vector<368x128xf32>
    %get3A_13 = arith.constant 0 : index
    %get3A_14 = arith.constant 0 : index
    %get3A_15 = vector.load %arg4[%get3A_13, %get3A_14] : memref<1x128xf32, #tpu.memory_space<vmem>>, vector<1x128xf32>
    %add3A_16 = vector.broadcast %get3A_15 : vector<1x128xf32> to vector<368x128xf32>
    %add3A_17 = arith.addf %get3A_12, %add3A_16 : vector<368x128xf32>
    %mul3A = arith.mulf %add3A_17, %rsqrt3A : vector<368x128xf32>
    %swap3A_18 = arith.constant 0 : index
    %swap3A_19 = arith.constant 0 : index
    %swap3A_20 = vector.load %arg5[%swap3A_18, %swap3A_19] : memref<368x128xf32, #tpu.memory_space<vmem>>, vector<368x128xf32>
    tpu.vector_store %arg5[%swap3A_18, %swap3A_19], %mul3A {strides = array<i32>} : memref<368x128xf32, #tpu.memory_space<vmem>>, vector<368x128xf32>,
    return
  }
  func.func @transform_0(%arg0: i32) -> (i32, i32) {
    %add3A = arith.constant 0 : i32
    %add3A_0 = arith.addi %arg0, %add3A : i32
    %c0_i32 = arith.constant 0 : i32
    %c0_i32_1 = arith.constant 0 : i32
    return %add3A_0, %c0_i32 : i32, i32
  }
  func.func @transform_1(%arg0: i32) -> (i32, i32) {
    %add3A = arith.constant 17 : i32
    %add3A_0 = arith.addi %arg0, %add3A : i32
    %c0_i32 = arith.constant 0 : i32
    %c0_i32_1 = arith.constant 0 : i32
    return %add3A_0, %c0_i32 : i32, i32
  }
  func.func @transform_2(%arg0: i32) -> (i32, i32) {
    %add3A = arith.constant 0 : i32
    %add3A_0 = arith.addi %arg0, %add3A : i32
    %c0_i32 = arith.constant 0 : i32
    %c0_i32_1 = arith.constant 0 : i32
    return %add3A_0, %c0_i32 : i32, i32
  }
  func.func @transform_3(%arg0: i32) -> (i32, i32) {
    %c0_i32 = arith.constant 0 : i32
    %c0_i32_0 = arith.constant 0 : i32
    %c0_i32_1 = arith.constant 0 : i32
    return %c0_i32, %c0_i32_0 : i32, i32
  }
  func.func @transform_4(%arg0: i32) -> (i32, i32) {
    %add3A = arith.constant 0 : i32
    %add3A_0 = arith.addi %arg0, %add3A : i32
    %c0_i32 = arith.constant 0 : i32
    %c0_i32_1 = arith.constant 0 : i32
    return %add3A_0, %c0_i32 : i32, i32
  }
  func.func @transform_5(%arg0: i32) -> (i32, i32) {
    %add3A = arith.constant 0 : i32
    %add3A_0 = arith.addi %arg0, %add3A : i32
    %c0_i32 = arith.constant 0 : i32
    %c0_i32_1 = arith.constant 0 : i32
    return %add3A_0, %c0_i32 : i32, i32
  }
}

module attributes {stable_mosaic.version = 14 : i64} {
  func.func @_tc2_body(%arg0: i32, %arg1: memref<368x128xf32, #tpu.memory_space<vmem>>, %arg2: memref<368x128xf32, #tpu.memory_space<vmem>>, %arg3: memref<368x128xf32, #tpu.memory_space<vmem>>, %arg4: memref<368x128xf32, #tpu.memory_space<vmem>>, %arg5: memref<128x256xf32, #tpu.memory_space<vmem>>, %arg6: memref<1x256xf32, #tpu.memory_space<vmem>>, %arg7: memref<256x128xf32, #tpu.memory_space<vmem>>, %arg8: memref<368x128xf32, #tpu.memory_space<vmem>>) attributes {dimension_semantics = [#tpu.dimension_semantics<arbitrary>], iteration_bounds = array<i64: 17>, scalar_prefetch = 0 : i64, scratch_operands = 0 : i64, tpu.core_type = #tpu.core_type<tc>, window_params = [{transform_indices = @transform_0, window_bounds = array<i64: 368, 128>}, {transform_indices = @transform_1, window_bounds = array<i64: 368, 128>}, {transform_indices = @transform_2, window_bounds = array<i64: 368, 128>}, {transform_indices = @transform_3, window_bounds = array<i64: 368, 128>}, {pipeline_mode = #tpu.pipeline_mode<synchronous>, transform_indices = @transform_4, window_bounds = array<i64: 128, 256>}, {pipeline_mode = #tpu.pipeline_mode<synchronous>, transform_indices = @transform_5, window_bounds = array<i64: 1, 256>}, {pipeline_mode = #tpu.pipeline_mode<synchronous>, transform_indices = @transform_6, window_bounds = array<i64: 256, 128>}, {transform_indices = @transform_7, window_bounds = array<i64: 368, 128>}]} {
    %get3A = arith.constant 0 : index
    %get3A_0 = arith.constant 0 : index
    %get3A_1 = vector.load %arg4[%get3A, %get3A_0] : memref<368x128xf32, #tpu.memory_space<vmem>>, vector<368x128xf32>
    %get3A_2 = arith.constant 0 : index
    %get3A_3 = arith.constant 0 : index
    %get3A_4 = vector.load %arg1[%get3A_2, %get3A_3] : memref<368x128xf32, #tpu.memory_space<vmem>>, vector<368x128xf32>
    %get3A_5 = arith.constant 0 : index
    %get3A_6 = arith.constant 0 : index
    %get3A_7 = vector.load %arg2[%get3A_5, %get3A_6] : memref<368x128xf32, #tpu.memory_space<vmem>>, vector<368x128xf32>
    %add3A = arith.addf %get3A_4, %get3A_7 : vector<368x128xf32>
    %get3A_8 = arith.constant 0 : index
    %get3A_9 = arith.constant 0 : index
    %get3A_10 = vector.load %arg3[%get3A_8, %get3A_9] : memref<368x128xf32, #tpu.memory_space<vmem>>, vector<368x128xf32>
    %add3A_11 = arith.addf %add3A, %get3A_10 : vector<368x128xf32>
    %mul3A = arith.mulf %add3A_11, %get3A_1 : vector<368x128xf32>
    %get3A_12 = arith.constant 0 : index
    %get3A_13 = arith.constant 0 : index
    %get3A_14 = vector.load %arg5[%get3A_12, %get3A_13] : memref<128x256xf32, #tpu.memory_space<vmem>>, vector<128x256xf32>
    %dot_general3A = arith.constant dense<0.000000e+00> : vector<368x256xf32>
    %dot_general3A_15 = tpu.matmul %mul3A, %get3A_14, %dot_general3A {dimension_numbers = #tpu.dot_dimension_numbers<[1], [0], [0], [1], [0, 0, 1, 1], [], []>, transpose_lhs_hint = false} : vector<368x128xf32>, vector<128x256xf32>, vector<368x256xf32> -> vector<368x256xf32>
    %get3A_16 = arith.constant 0 : index
    %get3A_17 = arith.constant 0 : index
    %get3A_18 = vector.load %arg6[%get3A_16, %get3A_17] : memref<1x256xf32, #tpu.memory_space<vmem>>, vector<1x256xf32>
    %add3A_19 = vector.broadcast %get3A_18 : vector<1x256xf32> to vector<368x256xf32>
    %add3A_20 = arith.addf %dot_general3A_15, %add3A_19 : vector<368x256xf32>
    %max3A = arith.constant 0.000000e+00 : f32
    %max3A_21 = vector.broadcast %max3A : f32 to vector<368x256xf32>
    %max3A_22 = arith.maximumf %add3A_20, %max3A_21 : vector<368x256xf32>
    %get3A_23 = arith.constant 0 : index
    %get3A_24 = arith.constant 0 : index
    %get3A_25 = vector.load %arg7[%get3A_23, %get3A_24] : memref<256x128xf32, #tpu.memory_space<vmem>>, vector<256x128xf32>
    %dot_general3A_26 = arith.constant dense<0.000000e+00> : vector<368x128xf32>
    %dot_general3A_27 = tpu.matmul %max3A_22, %get3A_25, %dot_general3A_26 {dimension_numbers = #tpu.dot_dimension_numbers<[1], [0], [0], [1], [0, 0, 1, 1], [], []>, transpose_lhs_hint = false} : vector<368x256xf32>, vector<256x128xf32>, vector<368x128xf32> -> vector<368x128xf32>
    %mul3A_28 = arith.mulf %dot_general3A_27, %get3A_1 : vector<368x128xf32>
    %swap3A = arith.constant 0 : index
    %swap3A_29 = arith.constant 0 : index
    %swap3A_30 = vector.load %arg8[%swap3A, %swap3A_29] : memref<368x128xf32, #tpu.memory_space<vmem>>, vector<368x128xf32>
    tpu.vector_store %arg8[%swap3A, %swap3A_29], %mul3A_28 {strides = array<i32>} : memref<368x128xf32, #tpu.memory_space<vmem>>, vector<368x128xf32>,
    return
  }
  func.func @transform_0(%arg0: i32) -> (i32, i32) {
    %add3A = arith.constant 0 : i32
    %add3A_0 = arith.addi %arg0, %add3A : i32
    %c0_i32 = arith.constant 0 : i32
    %c0_i32_1 = arith.constant 0 : i32
    return %add3A_0, %c0_i32 : i32, i32
  }
  func.func @transform_1(%arg0: i32) -> (i32, i32) {
    %add3A = arith.constant 17 : i32
    %add3A_0 = arith.addi %arg0, %add3A : i32
    %c0_i32 = arith.constant 0 : i32
    %c0_i32_1 = arith.constant 0 : i32
    return %add3A_0, %c0_i32 : i32, i32
  }
  func.func @transform_2(%arg0: i32) -> (i32, i32) {
    %add3A = arith.constant 0 : i32
    %add3A_0 = arith.addi %arg0, %add3A : i32
    %c0_i32 = arith.constant 0 : i32
    %c0_i32_1 = arith.constant 0 : i32
    return %add3A_0, %c0_i32 : i32, i32
  }
  func.func @transform_3(%arg0: i32) -> (i32, i32) {
    %add3A = arith.constant 0 : i32
    %add3A_0 = arith.addi %arg0, %add3A : i32
    %c0_i32 = arith.constant 0 : i32
    %c0_i32_1 = arith.constant 0 : i32
    return %add3A_0, %c0_i32 : i32, i32
  }
  func.func @transform_4(%arg0: i32) -> (i32, i32) {
    %c0_i32 = arith.constant 0 : i32
    %c0_i32_0 = arith.constant 0 : i32
    %c0_i32_1 = arith.constant 0 : i32
    return %c0_i32, %c0_i32_0 : i32, i32
  }
  func.func @transform_5(%arg0: i32) -> (i32, i32) {
    %c0_i32 = arith.constant 0 : i32
    %c0_i32_0 = arith.constant 0 : i32
    %c0_i32_1 = arith.constant 0 : i32
    return %c0_i32, %c0_i32_0 : i32, i32
  }
  func.func @transform_6(%arg0: i32) -> (i32, i32) {
    %c0_i32 = arith.constant 0 : i32
    %c0_i32_0 = arith.constant 0 : i32
    %c0_i32_1 = arith.constant 0 : i32
    return %c0_i32, %c0_i32_0 : i32, i32
  }
  func.func @transform_7(%arg0: i32) -> (i32, i32) {
    %add3A = arith.constant 0 : i32
    %add3A_0 = arith.addi %arg0, %add3A : i32
    %c0_i32 = arith.constant 0 : i32
    %c0_i32_1 = arith.constant 0 : i32
    return %add3A_0, %c0_i32 : i32, i32
  }
}

module attributes {stable_mosaic.version = 14 : i64} {
  func.func @_tc3_body(%arg0: i32, %arg1: memref<368x128xf32, #tpu.memory_space<vmem>>, %arg2: memref<368x128xf32, #tpu.memory_space<vmem>>, %arg3: memref<368x128xf32, #tpu.memory_space<vmem>>, %arg4: memref<368x128xf32, #tpu.memory_space<vmem>>, %arg5: memref<1x128xf32, #tpu.memory_space<vmem>>, %arg6: memref<368x128xf32, #tpu.memory_space<vmem>>) attributes {dimension_semantics = [#tpu.dimension_semantics<arbitrary>], iteration_bounds = array<i64: 17>, scalar_prefetch = 0 : i64, scratch_operands = 0 : i64, tpu.core_type = #tpu.core_type<tc>, window_params = [{transform_indices = @transform_0, window_bounds = array<i64: 368, 128>}, {transform_indices = @transform_1, window_bounds = array<i64: 368, 128>}, {transform_indices = @transform_2, window_bounds = array<i64: 368, 128>}, {transform_indices = @transform_3, window_bounds = array<i64: 368, 128>}, {pipeline_mode = #tpu.pipeline_mode<synchronous>, transform_indices = @transform_4, window_bounds = array<i64: 1, 128>}, {transform_indices = @transform_5, window_bounds = array<i64: 368, 128>}]} {
    %get3A = arith.constant 0 : index
    %get3A_0 = arith.constant 0 : index
    %get3A_1 = vector.load %arg1[%get3A, %get3A_0] : memref<368x128xf32, #tpu.memory_space<vmem>>, vector<368x128xf32>
    %get3A_2 = arith.constant 0 : index
    %get3A_3 = arith.constant 0 : index
    %get3A_4 = vector.load %arg2[%get3A_2, %get3A_3] : memref<368x128xf32, #tpu.memory_space<vmem>>, vector<368x128xf32>
    %add3A = arith.addf %get3A_1, %get3A_4 : vector<368x128xf32>
    %get3A_5 = arith.constant 0 : index
    %get3A_6 = arith.constant 0 : index
    %get3A_7 = vector.load %arg3[%get3A_5, %get3A_6] : memref<368x128xf32, #tpu.memory_space<vmem>>, vector<368x128xf32>
    %add3A_8 = arith.addf %add3A, %get3A_7 : vector<368x128xf32>
    %get3A_9 = arith.constant 0 : index
    %get3A_10 = arith.constant 0 : index
    %get3A_11 = vector.load %arg4[%get3A_9, %get3A_10] : memref<368x128xf32, #tpu.memory_space<vmem>>, vector<368x128xf32>
    %mul3A = arith.mulf %add3A_8, %get3A_11 : vector<368x128xf32>
    %get3A_12 = arith.constant 0 : index
    %get3A_13 = arith.constant 0 : index
    %get3A_14 = vector.load %arg5[%get3A_12, %get3A_13] : memref<1x128xf32, #tpu.memory_space<vmem>>, vector<1x128xf32>
    %add3A_15 = vector.broadcast %get3A_14 : vector<1x128xf32> to vector<368x128xf32>
    %add3A_16 = arith.addf %mul3A, %add3A_15 : vector<368x128xf32>
    %iota3A = tpu.iota {dimensions = array<i32: 1>} : vector<368x128xi32>
    %jit3A = arith.constant 8 : i32
    %eq3A = arith.constant 0 : i32
    %eq3A_17 = arith.cmpi eq, %jit3A, %eq3A : i32
    %jit3A_18 = arith.constant 1 : i32
    %select_n3A = arith.select %eq3A_17, %jit3A_18, %jit3A : i32
    %rem3A = vector.broadcast %select_n3A : i32 to vector<368x128xi32>
    %rem3A_19 = arith.remsi %iota3A, %rem3A : vector<368x128xi32>
    %ne3A = arith.constant 0 : i32
    %ne3A_20 = vector.broadcast %ne3A : i32 to vector<368x128xi32>
    %ne3A_21 = arith.cmpi ne, %rem3A_19, %ne3A_20 : vector<368x128xi32>
    %lt3A = arith.constant 0 : i32
    %lt3A_22 = vector.broadcast %lt3A : i32 to vector<368x128xi32>
    %lt3A_23 = arith.cmpi slt, %rem3A_19, %lt3A_22 : vector<368x128xi32>
    %lt3A_24 = arith.constant 0 : i32
    %lt3A_25 = arith.cmpi slt, %select_n3A, %lt3A_24 : i32
    %ne3A_26 = vector.broadcast %lt3A_25 : i1 to vector<368x128xi1>
    %ne3A_27 = vector.broadcast %ne3A_26 : vector<368x128xi1> to vector<368x128xi1>
    %ne3A_28 = arith.xori %lt3A_23, %ne3A_27 : vector<368x128xi1>
    %and3A = arith.andi %ne3A_28, %ne3A_21 : vector<368x128xi1>
    %add3A_29 = vector.broadcast %select_n3A : i32 to vector<368x128xi32>
    %add3A_30 = arith.addi %rem3A_19, %add3A_29 : vector<368x128xi32>
    %select_n3A_31 = arith.select %and3A, %add3A_30, %rem3A_19 : vector<368x128xi1>, vector<368x128xi32>
    %eq3A_32 = arith.constant 0 : i32
    %eq3A_33 = vector.broadcast %eq3A_32 : i32 to vector<368x128xi32>
    %eq3A_34 = arith.cmpi eq, %select_n3A_31, %eq3A_33 : vector<368x128xi32>
    %roll3A = arith.constant 127 : i32
    %roll3A_35 = tpu.dynamic_rotate %add3A_16 by %roll3A dim 1 : vector<368x128xf32>, i32 -> vector<368x128xf32>
    %roll3A_36 = arith.constant 1 : i32
    %roll3A_37 = tpu.dynamic_rotate %add3A_16 by %roll3A_36 dim 1 : vector<368x128xf32>, i32 -> vector<368x128xf32>
    %select_n3A_38 = arith.select %eq3A_34, %roll3A_35, %roll3A_37 : vector<368x128xi1>, vector<368x128xf32>
    %max3A = arith.maximumf %add3A_16, %select_n3A_38 : vector<368x128xf32>
    %sub3A = arith.subf %add3A_16, %max3A : vector<368x128xf32>
    %exp3A = math.exp %sub3A : vector<368x128xf32>
    %sub3A_39 = arith.subf %select_n3A_38, %max3A : vector<368x128xf32>
    %exp3A_40 = math.exp %sub3A_39 : vector<368x128xf32>
    %add3A_41 = arith.addf %exp3A, %exp3A_40 : vector<368x128xf32>
    %log3A = math.log %add3A_41 : vector<368x128xf32>
    %add3A_42 = arith.addf %max3A, %log3A : vector<368x128xf32>
    %sub3A_43 = arith.subf %add3A_16, %add3A_42 : vector<368x128xf32>
    %swap3A = arith.constant 0 : index
    %swap3A_44 = arith.constant 0 : index
    %swap3A_45 = vector.load %arg6[%swap3A, %swap3A_44] : memref<368x128xf32, #tpu.memory_space<vmem>>, vector<368x128xf32>
    tpu.vector_store %arg6[%swap3A, %swap3A_44], %sub3A_43 {strides = array<i32>} : memref<368x128xf32, #tpu.memory_space<vmem>>, vector<368x128xf32>,
    return
  }
  func.func @transform_0(%arg0: i32) -> (i32, i32) {
    %add3A = arith.constant 0 : i32
    %add3A_0 = arith.addi %arg0, %add3A : i32
    %c0_i32 = arith.constant 0 : i32
    %c0_i32_1 = arith.constant 0 : i32
    return %add3A_0, %c0_i32 : i32, i32
  }
  func.func @transform_1(%arg0: i32) -> (i32, i32) {
    %add3A = arith.constant 17 : i32
    %add3A_0 = arith.addi %arg0, %add3A : i32
    %c0_i32 = arith.constant 0 : i32
    %c0_i32_1 = arith.constant 0 : i32
    return %add3A_0, %c0_i32 : i32, i32
  }
  func.func @transform_2(%arg0: i32) -> (i32, i32) {
    %add3A = arith.constant 0 : i32
    %add3A_0 = arith.addi %arg0, %add3A : i32
    %c0_i32 = arith.constant 0 : i32
    %c0_i32_1 = arith.constant 0 : i32
    return %add3A_0, %c0_i32 : i32, i32
  }
  func.func @transform_3(%arg0: i32) -> (i32, i32) {
    %add3A = arith.constant 0 : i32
    %add3A_0 = arith.addi %arg0, %add3A : i32
    %c0_i32 = arith.constant 0 : i32
    %c0_i32_1 = arith.constant 0 : i32
    return %add3A_0, %c0_i32 : i32, i32
  }
  func.func @transform_4(%arg0: i32) -> (i32, i32) {
    %c0_i32 = arith.constant 0 : i32
    %c0_i32_0 = arith.constant 0 : i32
    %c0_i32_1 = arith.constant 0 : i32
    return %c0_i32, %c0_i32_0 : i32, i32
  }
  func.func @transform_5(%arg0: i32) -> (i32, i32) {
    %add3A = arith.constant 0 : i32
    %add3A_0 = arith.addi %arg0, %add3A : i32
    %c0_i32 = arith.constant 0 : i32
    %c0_i32_1 = arith.constant 0 : i32
    return %add3A_0, %c0_i32 : i32, i32
  }
}

</mosaic_0001>

<sc_bundles>
// kernel: kernel.11.cloned.1.call-start
scs
__scs_entry_jumppad:
0x0: {  	(pc) =	sbr.rel $0x88, $3  }
0x1: {  	(tag) =	ssettag $0x0;
	lr =	simm.s32 $0x1  }
0x2: {  	[smem:$0x3F9B] =	sst lr;
	_ =	strace $0xD0000000  }
0x3: {  	_ = 	snop  }
0x4: {  	_ = 	snop  }
0x5: {  	_ = 	snop  }
0x6: {  	_ = 	snop  }
0x7: {  	_ = 	snop  }
__scs_overlays_trampoline_lowered:
0x8: {  	[smem:$0x3FAA] =	sst s0  }
0x9: {  	[smem:$0x3FAB] =	sst s1  }
0xa: {  	[smem:$0x3FAC] =	sst s2  }
0xb: {  	[smem:$0x3FAD] =	sst s3  }
0xc: {  	[smem:$0x3FAE] =	sst s4  }
0xd: {  	[smem:$0x3FAF] =	sst s5  }
0xe: {  	[smem:$0x3FB0] =	sst s6  }
0xf: {  	[smem:$0x3FB1] =	sst s7  }
0x10: {  	[smem:$0x3FB2] =	sst s8  }
0x11: {  	[smem:$0x3FB3] =	sst s9;
	s0 =	simm.s32 @!p0 $0x0  }
0x12: {  	s1 =	sld [smem:$0x3F99];
	s0 =	simm.s32 @p0 $0x1  }
0x13: {  	[smem:$0x3FB4] =	sst s0;
	s0 =	simm.s32 @!p1 $0x0  }
0x14: {  	s2 =	sld [smem:$0x3F98];
	s0 =	simm.s32 @p1 $0x1  }
0x15: {  	[smem:$0x3FB5] =	sst s0;
	s0 =	simm.s32 @!p2 $0x0  }
0x16: {  	s3 =	sld [smem:$0x3FDB];
	s0 =	simm.s32 @p2 $0x1  }
0x17: {  	s4 =	simm.s32 $0x1BF5;
	[smem:$0x3FB7] =	sst s0  }
0x18: {  	s0 =	sld [smem:$0x3F9A];
	_ =	swait.ge [sflag:s4], $0x0  }
0x19: {  	s7 =	sld [smem:$0x3F9B]  }
0x1a: {  	s8 =	sadd.s32 $0xFFFFE003, lr  }
0x1b: {  	s9 =	sadd.s32 $0xFFFFFEF7, lr;
	s5 =	simm.s32 $0xFFFFFFFF;
	p2 =	slt.u32 s8, $0xFFFFF086  }
0x1c: {  	p1 =	slt.u32 s9, $0xF7A;
	s5 =	simm.s32 @!p2 $0x0  }
0x1d: {  	s5 =	simm.s32 @p1 $0x1;
	p0 =	seq.s32 s7, s2  }
0x1e: {  	s7 =	smul.u32 @!p0 $0xF7A, s2;
	p2 =	seq.s32 @!p0 s5, $0x0  }
0x1f: {  	s9 =	smul.u32 $0xF7A, s1;
	s8 =	simm.s32 @!p0 $0x1BF5;
	p2 =	por !p2, p0  }
0x20: {  	[sflag:s8] =	ssyncset.s32 @!p0 $0xFFFFF086;
	s6 =	sadd.s32 @!p0 s3, s7;
	s7 =	simm.s32 @!p0 $0x108  }
0x21: {  	s3 =	sadd.s32 s3, s9;
	s6 =	sadd.s32 @!p0 $0x88, s6;
	s7 =	simm.s32 @p2 $0x1082  }
0x22: {  	[simem:s7], [sflag:s8] =	dma.local @!p0 [hbm:s6], $0xF7A  }
0x23: {  	s9 =	sor.u32 $0xD0000000, s2;
	s6 =	simm.s32 $0x108;
	_ =	swait.ge @!p0 [sflag:s8], $0x0  }
0x24: {  	s3 =	sadd.s32 $0x88, s3;
	s6 =	simm.s32 @!p1 $0x1082;
	[sflag:s4] =	ssyncset.s32 $0xFFFFF086  }
0x25: {  	[simem:s6], [sflag:s4] =	dma.local [hbm:s3], $0xF7A  }
0x26: {  	[smem:$0x3F9B] =	sst s1;
	(tag) =	ssettag s2;
	_ =	strace s9  }
0x27: {  	s1 =	sld [smem:$0x3FAB]  }
0x28: {  	s2 =	sld [smem:$0x3FAC]  }
0x29: {  	s4 =	sld [smem:$0x3FAE]  }
0x2a: {  	p0 =	seq.s32 s5, $0x0;
	s5 =	sld [smem:$0x3FAF]  }
0x2b: {  	s6 =	sld [smem:$0x3FB0]  }
0x2c: {  	s7 =	sld [smem:$0x3FB1]  }
0x2d: {  	s3 =	simm.s32 $0x108;
	s8 =	sld [smem:$0x3FB2]  }
0x2e: {  	s3 =	simm.s32 @!p0 $0x1082;
	s9 =	sld [smem:$0x3FB3]  }
0x2f: {  	lr =	sadd.s32 s0, s3;
	s0 =	sld [smem:$0x3FAA]  }
0x30: {  	s3 =	sld [smem:$0x3FAD]  }
0x31: {  	[smem:$0x3FB6] =	sst s10  }
0x32: {  	s10 =	sld [smem:$0x3FB4];
	_ =	sdelay $0x3  }
0x33: {  	p0 =	seq.s32 s10, $0x1;
	s10 =	sld [smem:$0x3FB6];
	_ =	sdelay $0x3  }
0x34: {  	[smem:$0x3FB6] =	sst s10  }
0x35: {  	s10 =	sld [smem:$0x3FB5];
	_ =	sdelay $0x3  }
0x36: {  	p1 =	seq.s32 s10, $0x1;
	s10 =	sld [smem:$0x3FB6];
	_ =	sdelay $0x3  }
0x37: {  	[smem:$0x3FB6] =	sst s10  }
0x38: {  	s10 =	sld [smem:$0x3FB7]  }
0x39: {  	_ = 	snop;
	(pc) =	sbr.ind lr, $3  }
0x3a: {  	_ = 	snop  }
0x3b: {  	_ = 	snop  }
0x3c: {  	p2 =	seq.s32 s10, $0x1;
	s10 =	sld [smem:$0x3FB6]  }
0x3d: {  	_ =	shalt  }
0x3e: {  	_ =	shalt  }
0x3f: {  	_ =	shalt  }
0x40: {  	_ =	shalt  }
0x41: {  	_ =	shalt  }
0x42: {  	_ =	shalt  }
0x43: {  	_ =	shalt  }
0x44: {  	_ =	shalt  }
0x45: {  	_ =	shalt  }
0x46: {  	_ =	shalt  }
0x47: {  	_ =	shalt  }
0x48: {  	_ =	shalt  }
0x49: {  	_ =	shalt  }
0x4a: {  	_ =	shalt  }
0x4b: {  	_ =	shalt  }
0x4c: {  	_ =	shalt  }
0x4d: {  	_ =	shalt  }
0x4e: {  	_ =	shalt  }
0x4f: {  	_ =	shalt  }
0x50: {  	_ =	shalt  }
0x51: {  	_ =	shalt  }
0x52: {  	_ =	shalt  }
0x53: {  	_ =	shalt  }
0x54: {  	_ =	shalt  }
0x55: {  	_ =	shalt  }
0x56: {  	_ =	shalt  }
0x57: {  	_ =	shalt  }
0x58: {  	_ =	shalt  }
0x59: {  	_ =	shalt  }
0x5a: {  	_ =	shalt  }
0x5b: {  	_ =	shalt  }
0x5c: {  	_ =	shalt  }
0x5d: {  	_ =	shalt  }
0x5e: {  	_ =	shalt  }
0x5f: {  	_ =	shalt  }
0x60: {  	_ =	shalt  }
0x61: {  	_ =	shalt  }
0x62: {  	_ =	shalt  }
0x63: {  	_ =	shalt  }
0x64: {  	_ =	shalt  }
0x65: {  	_ =	shalt  }
0x66: {  	_ =	shalt  }
0x67: {  	_ =	shalt  }
0x68: {  	_ =	shalt  }
0x69: {  	_ =	shalt  }
0x6a: {  	_ =	shalt  }
0x6b: {  	_ =	shalt  }
0x6c: {  	_ =	shalt  }
0x6d: {  	_ =	shalt  }
0x6e: {  	_ =	shalt  }
0x6f: {  	_ =	shalt  }
0x70: {  	_ =	shalt  }
0x71: {  	_ =	shalt  }
0x72: {  	_ =	shalt  }
0x73: {  	_ =	shalt  }
0x74: {  	_ =	shalt  }
0x75: {  	_ =	shalt  }
0x76: {  	_ =	shalt  }
0x77: {  	_ =	shalt  }
0x78: {  	_ =	shalt  }
0x79: {  	_ =	shalt  }
0x7a: {  	_ =	shalt  }
0x7b: {  	_ =	shalt  }
0x7c: {  	_ =	shalt  }
0x7d: {  	_ =	shalt  }
0x7e: {  	_ =	shalt  }
0x7f: {  	_ =	shalt  }
0x80: {  	_ =	shalt  }
0x81: {  	_ =	shalt  }
0x82: {  	_ =	shalt  }
0x83: {  	_ =	shalt  }
0x84: {  	_ =	shalt  }
0x85: {  	_ =	shalt  }
0x86: {  	_ =	shalt  }
0x87: {  	_ =	shalt  }
.Lfunc_end0:
.L_simem_size_0:
called_computation.1_lowered:
.L_overlay_start_0:
0x88: {  	s2 =	sld [smem:$0x3FD9]  }
0x89: {  	s3 =	sld [smem:$0x3FFE];
	_ =	sdelay $0x1  }
0x8a: {  	s1 =	srdreg.scid  }
0x8b: {  	s0 =	sand.u32 $0x1, s1  }
0x8c: {  	s16 =	sshll.u32 s0, $0xA;
	s2 =	sadd.s32 s3, s2  }
0x8d: {  	s2 =	sadd.s32 s2, s16  }
0x8e: {  	[smem:$0x3FC2] =	sst s2  }
0x8f: {  	_ = 	snop  }
0x90: {  	(tm) =	ssettm $0x1  }
0x91: {  	s17 =	sld [smem:$0x3FFB];
	_ =	sdelay $0x3  }
0x92: {  	_ =	strace s17  }
0x93: {  	s2 =	sld [smem:$0x3FFC];
	_ =	sdelay $0x3  }
0x94: {  	_ =	strace s2  }
0x95: {  	s2 =	sld [smem:$0x3FFD];
	_ =	sdelay $0x3  }
0x96: {  	_ =	strace s2  }
0x97: {  	_ =	strace $0x8FFFFFFF  }
0x98: {  	s18 =	sld [smem:$0x3FDB];
	_ =	sdelay $0x1  }
0x99: {  	s19 =	simm.s32 $_scs_section_size  }
0x9a: {  	s4 =	simm.s32 $_size__tile_overlayer_lowered;
	s5 =	simm.s32 $_tile_overlayer_lowered  }
0x9b: {  	s22 =	simm.s32 $0x1BFF;
	s21 =	sshll.u32 s5, $0x1;
	s2 =	sadd.s32 s19, s18  }
0x9c: {  	s6 =	simm.s32 $0x0;
	s20 =	sshll.u32 s4, $0x1;
	s4 =	sadd.s32 s21, s2  }
0x9d: {  	[timem:s6], [sflag:s22] =	dma.local [hbm:s4], s20  }
0x9e: {  	_ =	swait.ge [sflag:s22], s20  }
0x9f: {  	s3 =	ssub.s32 $0x0, s20;
	[sflag:s22] =	ssyncset.done $0x0  }
0xa0: {  	[sflag:s22] =	ssyncadd.s32 s3;
	_ =	sdelay $0x1  }
0xa1: {  	s23 =	simm.s32 $0x1B8B  }
0xa2: {  	_ =	swait.ge [sflag:s23], $0x1  }
0xa3: {  	[sflag:s23] =	ssyncset.done $0x0  }
0xa4: {  	s25 =	simm.s32 $0x1B8E;
	s24 =	sld [smem:$0x3FFE];
	[sflag:s23] =	ssyncadd.s32 $0xFFFFFFFF  }
0xa5: {  	s26 =	simm.s32 $execute0_lowered;
	[smem:$0x3FD2] =	sst s25  }
0xa6: {  	s4 =	sshll.u32 s26, $0x1;
	_ =	strace $0x8000004D;
	[dreg:$0x1] =	wrdreg $0xFFFFFFFF  }
0xa7: {  	s28 =	simm.s32 $_size_execute0_lowered;
	s2 =	sadd.s32 s2, s4;
	[dreg:$0x0] =	wrdreg $0x0  }
0xa8: {  	s4 =	sshll.u32 s28, $0x1;
	[dreg:$0x2] =	wrdreg s2  }
0xa9: {  	[dreg:$0x3] =	wrdreg s4  }
0xaa: {  	[dreg:$0x4] =	wrdreg $0xC0  }
0xab: {  	_ =	task [dreg:s6], $0x5FFFF  }
0xac: {  	[dreg:$0x1] =	wrdreg $0xFFFFFFFF  }
0xad: {  	[dreg:$0x0] =	wrdreg $0x60  }
0xae: {  	[dreg:$0x2] =	wrdreg s24  }
0xaf: {  	[dreg:$0x3] =	wrdreg $0x9C400  }
0xb0: {  	[dreg:$0x4] =	wrdreg $0x9  }
0xb1: {  	_ =	task.clear_ibuf [dreg:s6], $0x5FFFF;
	_ =	strace $0x9000004D  }
0xb2: {  	s29 =	simm.s32 $0x9;
	_ =	strace $0x8000004F  }
0xb3: {  	_ =	swait.ge [sflag:s29], $0x1  }
0xb4: {  	[sflag:s29] =	ssyncadd.s32 $0xFFFFFFFF  }
0xb5: {  	_ =	strace $0x9000004F  }
0xb6: {  	_ =	sfence  }
0xb7: {  	s30 =	sld [smem:$0x0];
	_ =	sdelay $0x2  }
0xb8: {  	s31 =	sshll.u32 s1, $0xD;
	s1 =	sshrl.u32 s1, $0x2  }
0xb9: {  	s3 =	sand.u32 $0x4000, s31;
	s1 =	sadd.s32 s1, s30  }
0xba: {  	s0 =	sor.u32 s3, s0;
	s1 =	sshll.u32 s1, $0x11  }
0xbb: {  	s0 =	sor.u32 s1, s0  }
0xbc: {  	s0 =	sadd.s32 $0x8F2B, s0  }
0xbd: {  	[sflag:s0] =	ssyncadd.remote.s32 $0x1  }
0xbe: {  	_ =	sfence.sel $0xFFFF  }
0xbf: {  	[dreg:$0x0] =	wrdreg $0xFFFFFFFF;
	(pc) =	sbr.abs _section_cstart, $3  }
0xc0: {  	[dreg:$0x1] =	wrdreg $0xFFFFFFFF  }
0xc1: {  	_ =	task.clear_ibuf [dreg:s6], $0x2FFFF;
	_ =	strace $0x9FFFFFFF  }
0xc2: {  	(tm) =	ssettm $0x7FFFFFFF  }
0xc3: {  	_ =	shalt  }
tec
execute0_lowered:
.L_overlay_start_1:
0x0: {  	(tag) =	ssettag $0x1  }
0x1: {  	s0 =	rddreg [dreg:$0x0]  }
0x2: {  	s1 =	rddreg [dreg:$0x1];
	s3 =	simm.s32 $0x0;
	s15 =	stileid.u32  }
0x3: {  	s2 =	srdreg.scid;
	s28 =	simm.s32 $0x3E80;
	s29 =	simm.s32 $0x3  }
0x4: {  	s30 =	simm.s32 $0x4;
	s31 =	simm.s32 $0x0;
	[smem:$0x7FF] =	sst s3  }
0x5: {  	s4 =	sadd.s32 $0xDEA00, s0;
	s7 =	smul.u32 $0xC380, s15;
	s2 =	sand.u32 $0x1, s2  }
0x6: {  	s5 =	sadd.s32 $0x2A00, s0;
	s6 =	sadd.s32 $0x64600, s0;
	s10 =	smul.u32 $0x1870, s15  }
0x7: {  	s21 =	sshll.u32 s15, $0x6;
	s22 =	smul.u32 $0x186A0, s15;
	_ =	strace $0x8000004E  }
0x8: {  	s8 =	sshll.u32 s2, $0x4;
	s11 =	ssub.s32 $0x2, s2;
	s19 =	smul.u32 $0x186A00, s2  }
0x9: {  	s2 =	smul.u32 $0x18700, s2;
	s9 =	sshrl.u32 s7, $0x3;
	s8 =	sor.u32 s15, s8  }
0xa: {  	s18 =	sshrl.u32 s11, $0x1;
	s9 =	sadd.s32 s9, s0;
	s12 =	smul.u32 $0x30D4, s8  }
0xb: {  	s0 =	sadd.s32 s10, s0;
	s13 =	smul.u32 $0x186A0, s8;
	s14 =	ssub.s32 s11, s18  }
0xc: {  	s18 =	sadd.s32 s7, s1;
	s8 =	sor.u32 $0x1C05, s21;
	s17 =	sadd.s32 s22, s19  }
0xd: {  	s19 =	simm.s32 $0x5;
	s21 =	simm.s32 $0x84D0;
	s22 =	simm.s32 $0x1  }
0xe: {  	s20 =	sadd.s32 $0xC6200, s9;
	s25 =	sadd.s32 $0x1770, s17;
	s0 =	sadd.s32 s2, s0  }
0xf: {  	s14 =	smax.u32 s14, $0x1;
	s17 =	sadd.s32 $0xFA0, s17;
	s18 =	sshrl.u32 s18, $0x3  }
0x10: {  	[dreg:$0x3] =	wrdreg s20;
	s23 =	sadd.s32 s5, s12;
	s13 =	sshrl.u32 s13, $0x3  }
0x11: {  	s24 =	sadd.s32 s6, s12;
	s26 =	sshrl.u32 s25, $0x3;
	s20 =	simm.s32 $0x7D00  }
0x12: {  	s25 =	simm.s32 $0x9470;
	[dreg:$0x4] =	wrdreg s23;
	s13 =	sadd.s32 $0xFA, s13  }
0x13: {  	[dreg:$0x5] =	wrdreg s24;
	s15 =	sadd.s32 s26, s6;
	s16 =	sadd.s32 s26, s5  }
0x14: {  	s23 =	simm.s32 $0x7D0;
	s24 =	simm.s32 $0x8CA0;
	s26 =	simm.s32 $0x2  }
0x15: {  	s11 =	sadd.s32 s5, s13;
	s12 =	sadd.s32 s6, s13;
	s13 =	sadd.s32 $0xF7200, s0  }
.LBB2_1:
0x16: {  	s0 =	rddreg [dreg:$0x3]  }
0x17: {  	[spmem:s18], [sflag:s8] =	dma.local [hbm:s0], $0x1870  }
0x18: {  	_ =	swait.ge [sflag:s19], $0x1870  }
0x19: {  	[sflag:s19] =	ssyncset.done $0x0  }
0x1a: {  	[sflag:s19] =	ssyncadd.s32 $0xFFFFE790  }
0x1b: {  	[bflag:$0x0] =	sbarrier.arrive $0xFFFF  }
0x1c: {  	s10 =	rddreg [dreg:$0x4]  }
0x1d: {  	[tilespmem:s20], [sflag:$0x1] =	stream.linear.gather [hbm4b:s10+s3], $0x7D0, $0x38;
	[tilespmem:$0x15FC0] =	vst v63  }
0x1e: {  	s2 =	rddreg [dreg:$0x5]  }
0x1f: {  	[tilespmem:s21], [sflag:$0x1] =	stream.linear.gather [hbm4b:s2+s3], $0x7D0, $0x38;
	[tilespmem:$0x15FC0] =	vst v63  }
0x20: {  	_ =	swait.ge [sflag:s22], $0x7D0  }
0x21: {  	[sflag:s22] =	ssyncset.done $0x0  }
0x22: {  	[sflag:s22] =	ssyncadd.s32 $0xFFFFF830  }
0x23: {  	_ =	swait.ge [sflag:s22], $0x7D0  }
0x24: {  	[sflag:s22] =	ssyncset.done $0x0  }
0x25: {  	[sflag:s22] =	ssyncadd.s32 $0xFFFFF830  }
0x26: {  	[tilespmem:s3], [sflag:$0x3] =	stream.indirect.gather [hbm4b:s4+s23], $0x8, s20, s23, $0xb8;
	[tilespmem:$0x15FC0] =	vst v63  }
0x27: {  	_ = 	snop  }
0x28: {  	[tilespmem:s24], [sflag:$0x2] =	stream.linear.gather [hbm4b:s11+s3], $0x7D0, $0x38;
	[tilespmem:$0x15FC0] =	vst v63  }
0x29: {  	_ = 	snop  }
0x2a: {  	[tilespmem:s25], [sflag:$0x2] =	stream.linear.gather [hbm4b:s12+s3], $0x7D0, $0x38;
	[tilespmem:$0x15FC0] =	vst v63  }
0x2b: {  	_ =	swait.ge [sflag:s26], $0x7D0  }
0x2c: {  	[sflag:s26] =	ssyncset.done $0x0  }
0x2d: {  	[sflag:s26] =	ssyncadd.s32 $0xFFFFF830  }
0x2e: {  	_ =	swait.ge [sflag:s26], $0x7D0  }
0x2f: {  	[sflag:s26] =	ssyncset.done $0x0  }
0x30: {  	[sflag:s26] =	ssyncadd.s32 $0xFFFFF830  }
0x31: {  	[tilespmem:s28], [sflag:$0x4] =	stream.indirect.gather [hbm4b:s4+s23], $0x8, s24, s23, $0xb8;
	[tilespmem:$0x15FC0] =	vst v63  }
0x32: {  	_ =	swait.ge [sflag:s29], $0x3E80  }
0x33: {  	[sflag:s29] =	ssyncset.done $0x0  }
0x34: {  	[sflag:s29] =	ssyncadd.s32 $0xFFFFC180  }
0x35: {  	[spmem:s1] =	stream.indirect.scatter.add.f32 [tilespmem:s3], [sflag:$0x5], $0x8, s21, s23, $0xb8;
	[tilespmem:$0x15FC0] =	vst v63  }
0x36: {  	_ =	swait.ge [sflag:s19], $0x3E80  }
0x37: {  	s7 =	sshrl.u32 s17, $0x3;
	[sflag:s19] =	ssyncset.done $0x0  }
0x38: {  	s2 =	sadd.s32 s5, s7;
	[sflag:s19] =	ssyncadd.s32 $0xFFFFC180  }
0x39: {  	[tilespmem:s20], [sflag:$0x1] =	stream.linear.gather [hbm4b:s2+s3], $0x7D0, $0x38;
	[tilespmem:$0x15FC0] =	vst v63  }
0x3a: {  	s0 =	sadd.s32 s6, s7  }
0x3b: {  	[tilespmem:s21], [sflag:$0x1] =	stream.linear.gather [hbm4b:s0+s3], $0x7D0, $0x38;
	[tilespmem:$0x15FC0] =	vst v63  }
0x3c: {  	_ =	swait.ge [sflag:s22], $0x7D0  }
0x3d: {  	[sflag:s22] =	ssyncset.done $0x0  }
0x3e: {  	[sflag:s22] =	ssyncadd.s32 $0xFFFFF830  }
0x3f: {  	_ =	swait.ge [sflag:s22], $0x7D0  }
0x40: {  	[sflag:s22] =	ssyncset.done $0x0  }
0x41: {  	[sflag:s22] =	ssyncadd.s32 $0xFFFFF830  }
0x42: {  	[tilespmem:s3], [sflag:$0x3] =	stream.indirect.gather [hbm4b:s4+s23], $0x8, s20, s23, $0xb8;
	[tilespmem:$0x15FC0] =	vst v63  }
0x43: {  	_ =	swait.ge [sflag:s30], $0x3E80  }
0x44: {  	[sflag:s30] =	ssyncset.done $0x0  }
0x45: {  	[sflag:s30] =	ssyncadd.s32 $0xFFFFC180  }
0x46: {  	[spmem:s1] =	stream.indirect.scatter.add.f32 [tilespmem:s28], [sflag:$0x5], $0x8, s25, s23, $0xb8;
	[tilespmem:$0x15FC0] =	vst v63  }
0x47: {  	_ =	swait.ge [sflag:s19], $0x3E80  }
0x48: {  	[sflag:s19] =	ssyncset.done $0x0  }
0x49: {  	s9 =	sadd.s32 $0x0, s16;
	[sflag:s19] =	ssyncadd.s32 $0xFFFFC180  }
0x4a: {  	[tilespmem:s24], [sflag:$0x2] =	stream.linear.gather [hbm4b:s9+s3], $0x7D0, $0x38;
	[tilespmem:$0x15FC0] =	vst v63  }
0x4b: {  	s10 =	sadd.s32 $0x0, s15  }
0x4c: {  	[tilespmem:s25], [sflag:$0x2] =	stream.linear.gather [hbm4b:s10+s3], $0x7D0, $0x38;
	[tilespmem:$0x15FC0] =	vst v63  }
0x4d: {  	_ =	swait.ge [sflag:s26], $0x7D0  }
0x4e: {  	[sflag:s26] =	ssyncset.done $0x0  }
0x4f: {  	[sflag:s26] =	ssyncadd.s32 $0xFFFFF830  }
0x50: {  	_ =	swait.ge [sflag:s26], $0x7D0  }
0x51: {  	[sflag:s26] =	ssyncset.done $0x0  }
0x52: {  	s2 =	sadd.s32 $0xFA0, s17;
	s0 =	simm.s32 $0x1F4;
	[sflag:s26] =	ssyncadd.s32 $0xFFFFF830  }
.LBB2_2:
0x53: {  	[tilespmem:s28], [sflag:$0x4] =	stream.indirect.gather [hbm4b:s4+s23], $0x8, s24, s23, $0xb8;
	[tilespmem:$0x15FC0] =	vst v63  }
0x54: {  	s7 =	smov.u32 s0  }
0x55: {  	p0 =	sne.s32 s0, $0x2CEC;
	s0 =	sadd.s32 $0x1F4, s0;
	_ =	swait.ge [sflag:s29], $0x3E80  }
0x56: {  	[sflag:s29] =	ssyncset.done $0x0  }
0x57: {  	[sflag:s29] =	ssyncadd.s32 $0xFFFFC180  }
0x58: {  	[spmem:s1] =	stream.indirect.scatter.add.f32 [tilespmem:s3], [sflag:$0x5], $0x8, s21, s23, $0xb8;
	[tilespmem:$0x15FC0] =	vst v63  }
0x59: {  	_ =	swait.ge [sflag:s19], $0x3E80  }
0x5a: {  	s9 =	sshrl.u32 s2, $0x3;
	[sflag:s19] =	ssyncset.done $0x0  }
0x5b: {  	s10 =	sadd.s32 s5, s9;
	[sflag:s19] =	ssyncadd.s32 $0xFFFFC180  }
0x5c: {  	[tilespmem:s20], [sflag:$0x1] =	stream.linear.gather [hbm4b:s10+s3], $0x7D0, $0x38;
	[tilespmem:$0x15FC0] =	vst v63  }
0x5d: {  	s9 =	sadd.s32 s6, s9  }
0x5e: {  	[tilespmem:s21], [sflag:$0x1] =	stream.linear.gather [hbm4b:s9+s3], $0x7D0, $0x38;
	[tilespmem:$0x15FC0] =	vst v63  }
0x5f: {  	_ =	swait.ge [sflag:s22], $0x7D0  }
0x60: {  	[sflag:s22] =	ssyncset.done $0x0  }
0x61: {  	[sflag:s22] =	ssyncadd.s32 $0xFFFFF830  }
0x62: {  	_ =	swait.ge [sflag:s22], $0x7D0  }
0x63: {  	[sflag:s22] =	ssyncset.done $0x0  }
0x64: {  	[sflag:s22] =	ssyncadd.s32 $0xFFFFF830  }
0x65: {  	[tilespmem:s3], [sflag:$0x3] =	stream.indirect.gather [hbm4b:s4+s23], $0x8, s20, s23, $0xb8;
	[tilespmem:$0x15FC0] =	vst v63  }
0x66: {  	_ =	swait.ge [sflag:s30], $0x3E80  }
0x67: {  	[sflag:s30] =	ssyncset.done $0x0  }
0x68: {  	[sflag:s30] =	ssyncadd.s32 $0xFFFFC180  }
0x69: {  	[spmem:s1] =	stream.indirect.scatter.add.f32 [tilespmem:s28], [sflag:$0x5], $0x8, s25, s23, $0xb8;
	[tilespmem:$0x15FC0] =	vst v63  }
0x6a: {  	_ =	swait.ge [sflag:s19], $0x3E80  }
0x6b: {  	[sflag:s19] =	ssyncset.done $0x0  }
0x6c: {  	s9 =	sadd.s32 s7, s16;
	[sflag:s19] =	ssyncadd.s32 $0xFFFFC180  }
0x6d: {  	[tilespmem:s24], [sflag:$0x2] =	stream.linear.gather [hbm4b:s9+s3], $0x7D0, $0x38;
	[tilespmem:$0x15FC0] =	vst v63  }
0x6e: {  	s7 =	sadd.s32 s7, s15  }
0x6f: {  	[tilespmem:s25], [sflag:$0x2] =	stream.linear.gather [hbm4b:s7+s3], $0x7D0, $0x38;
	[tilespmem:$0x15FC0] =	vst v63  }
0x70: {  	_ =	swait.ge [sflag:s26], $0x7D0  }
.Ltmp0:
0x71: {  	[sflag:s26] =	ssyncset.done $0x0;
	(pc) =	sbr.rel @p0 .LBB2_2-.Ltmp0, $4  }
0x72: {  	[sflag:s26] =	ssyncadd.s32 $0xFFFFF830  }
0x73: {  	_ =	swait.ge [sflag:s26], $0x7D0  }
0x74: {  	[sflag:s26] =	ssyncset.done $0x0  }
0x75: {  	s2 =	sadd.s32 $0xFA0, s2;
	[sflag:s26] =	ssyncadd.s32 $0xFFFFF830  }
0x76: {  	[tilespmem:s28], [sflag:$0x4] =	stream.indirect.gather [hbm4b:s4+s23], $0x8, s24, s23, $0xb8;
	[tilespmem:$0x15FC0] =	vst v63  }
0x77: {  	_ =	swait.ge [sflag:s29], $0x3E80  }
0x78: {  	[sflag:s29] =	ssyncset.done $0x0  }
0x79: {  	[sflag:s29] =	ssyncadd.s32 $0xFFFFC180  }
0x7a: {  	[spmem:s1] =	stream.indirect.scatter.add.f32 [tilespmem:s3], [sflag:$0x5], $0x8, s21, s23, $0xb8;
	[tilespmem:$0x15FC0] =	vst v63  }
0x7b: {  	_ =	swait.ge [sflag:s19], $0x3E80  }
0x7c: {  	[sflag:s19] =	ssyncset.done $0x0  }
0x7d: {  	[sflag:s19] =	ssyncadd.s32 $0xFFFFC180  }
0x7e: {  	_ =	swait.ge [sflag:s30], $0x3E80  }
0x7f: {  	[sflag:s30] =	ssyncset.done $0x0  }
0x80: {  	[sflag:s30] =	ssyncadd.s32 $0xFFFFC180  }
0x81: {  	[spmem:s1] =	stream.indirect.scatter.add.f32 [tilespmem:s28], [sflag:$0x5], $0x8, s25, s23, $0xb8;
	[tilespmem:$0x15FC0] =	vst v63  }
0x82: {  	_ =	swait.ge [sflag:s19], $0x3E80  }
0x83: {  	s31 =	sadd.s32 $0x1, s31;
	[sflag:s19] =	ssyncset.done $0x0  }
0x84: {  	p0 =	sne.s32 s31, s14;
	[sflag:s19] =	ssyncadd.s32 $0xFFFFC180  }
.Ltmp1:
0x85: {  	[bflag:$0x0] =	sbarrier.arrive $0xFFFF;
	(pc) =	sbr.rel @p0 .LBB2_1-.Ltmp1, $4  }
0x86: {  	[hbm:s13], [sflag:s8] =	dma.local [spmem:s18], $0x1870  }
0x87: {  	_ =	swait.ge [sflag:s19], $0x1870  }
0x88: {  	[sflag:s19] =	ssyncset.done $0x0  }
0x89: {  	[sflag:s19] =	ssyncadd.s32 $0xFFFFE790  }
0x8a: {  	_ =	sfence.sel $0x180000  }
0x8b: {  	[bflag:$0x0] =	sbarrier.arrive $0xFFFF  }
0x8c: {  	_ =	strace $0x9000004E  }
0x8d: {  	s0 =	stileid.u32;
	[bflag:$0x2] =	sbarrier.arrive $0xFFFF  }
0x8e: {  	p0 =	sne.s32 s0, $0x0;
	s0 =	rddreg [dreg:$0x2]  }
0x8f: {  	s0 =	sadd.s32 @!p0 $0x100000, s0  }
0x90: {  	[sflag:s0] =	ssyncadd.tile.s32 @!p0 $0x1;
	_ =	shalt  }
.Lfunc_end2:
_tile_overlayer_lowered:
.L_overlay_start_2:
0x91: {  	(tag) =	ssettag $0x2  }
0x92: {  	s0 =	rddreg [dreg:$0x0];
	s2 =	stileid.u32  }
0x93: {  	s1 =	rddreg [dreg:$0x1];
	p0 =	sne.s32 s2, $0x0  }
0x94: {  	s3 =	rddreg [dreg:$0x2];
	[bflag:$0x3] =	sbarrier.arrive $0xFFFF;
	s2 =	simm.s32 @!p0 $0x1C05  }
0x95: {  	[timem:s3], [sflag:s2] =	dma.local @!p0 [hbm:s0], s1  }
0x96: {  	s0 =	simm.s32 @!p0 $0x5  }
0x97: {  	_ =	swait.ge @!p0 [sflag:s0], s1  }
0x98: {  	s1 =	ssub.s32 @!p0 $0x0, s1;
	[sflag:s0] =	ssyncset.done @!p0 $0x0  }
0x99: {  	[sflag:s0] =	ssyncadd.s32 @!p0 s1  }
0x9a: {  	[bflag:$0x3] =	sbarrier.arrive $0xFFFF  }
0x9b: {  	_ =	shalt  }

// kernel: kernel.14.cloned.1.call-start
scs
__scs_entry_jumppad:
0x0: {  	(pc) =	sbr.rel $0x88, $3  }
0x1: {  	(tag) =	ssettag $0x0;
	lr =	simm.s32 $0x1  }
0x2: {  	[smem:$0x3F9B] =	sst lr;
	_ =	strace $0xD0000000  }
0x3: {  	_ = 	snop  }
0x4: {  	_ = 	snop  }
0x5: {  	_ = 	snop  }
0x6: {  	_ = 	snop  }
0x7: {  	_ = 	snop  }
__scs_overlays_trampoline_lowered:
0x8: {  	[smem:$0x3FAA] =	sst s0  }
0x9: {  	[smem:$0x3FAB] =	sst s1  }
0xa: {  	[smem:$0x3FAC] =	sst s2  }
0xb: {  	[smem:$0x3FAD] =	sst s3  }
0xc: {  	[smem:$0x3FAE] =	sst s4  }
0xd: {  	[smem:$0x3FAF] =	sst s5  }
0xe: {  	[smem:$0x3FB0] =	sst s6  }
0xf: {  	[smem:$0x3FB1] =	sst s7  }
0x10: {  	[smem:$0x3FB2] =	sst s8  }
0x11: {  	[smem:$0x3FB3] =	sst s9;
	s0 =	simm.s32 @!p0 $0x0  }
0x12: {  	s1 =	sld [smem:$0x3F99];
	s0 =	simm.s32 @p0 $0x1  }
0x13: {  	[smem:$0x3FB4] =	sst s0;
	s0 =	simm.s32 @!p1 $0x0  }
0x14: {  	s2 =	sld [smem:$0x3F98];
	s0 =	simm.s32 @p1 $0x1  }
0x15: {  	[smem:$0x3FB5] =	sst s0;
	s0 =	simm.s32 @!p2 $0x0  }
0x16: {  	s3 =	sld [smem:$0x3FDB];
	s0 =	simm.s32 @p2 $0x1  }
0x17: {  	s4 =	simm.s32 $0x1BF5;
	[smem:$0x3FB7] =	sst s0  }
0x18: {  	s0 =	sld [smem:$0x3F9A];
	_ =	swait.ge [sflag:s4], $0x0  }
0x19: {  	s7 =	sld [smem:$0x3F9B]  }
0x1a: {  	s8 =	sadd.s32 $0xFFFFE003, lr  }
0x1b: {  	s9 =	sadd.s32 $0xFFFFFEF7, lr;
	s5 =	simm.s32 $0xFFFFFFFF;
	p2 =	slt.u32 s8, $0xFFFFF086  }
0x1c: {  	p1 =	slt.u32 s9, $0xF7A;
	s5 =	simm.s32 @!p2 $0x0  }
0x1d: {  	s5 =	simm.s32 @p1 $0x1;
	p0 =	seq.s32 s7, s2  }
0x1e: {  	s7 =	smul.u32 @!p0 $0xF7A, s2;
	p2 =	seq.s32 @!p0 s5, $0x0  }
0x1f: {  	s9 =	smul.u32 $0xF7A, s1;
	s8 =	simm.s32 @!p0 $0x1BF5;
	p2 =	por !p2, p0  }
0x20: {  	[sflag:s8] =	ssyncset.s32 @!p0 $0xFFFFF086;
	s6 =	sadd.s32 @!p0 s3, s7;
	s7 =	simm.s32 @!p0 $0x108  }
0x21: {  	s3 =	sadd.s32 s3, s9;
	s6 =	sadd.s32 @!p0 $0x88, s6;
	s7 =	simm.s32 @p2 $0x1082  }
0x22: {  	[simem:s7], [sflag:s8] =	dma.local @!p0 [hbm:s6], $0xF7A  }
0x23: {  	s9 =	sor.u32 $0xD0000000, s2;
	s6 =	simm.s32 $0x108;
	_ =	swait.ge @!p0 [sflag:s8], $0x0  }
0x24: {  	s3 =	sadd.s32 $0x88, s3;
	s6 =	simm.s32 @!p1 $0x1082;
	[sflag:s4] =	ssyncset.s32 $0xFFFFF086  }
0x25: {  	[simem:s6], [sflag:s4] =	dma.local [hbm:s3], $0xF7A  }
0x26: {  	[smem:$0x3F9B] =	sst s1;
	(tag) =	ssettag s2;
	_ =	strace s9  }
0x27: {  	s1 =	sld [smem:$0x3FAB]  }
0x28: {  	s2 =	sld [smem:$0x3FAC]  }
0x29: {  	s4 =	sld [smem:$0x3FAE]  }
0x2a: {  	p0 =	seq.s32 s5, $0x0;
	s5 =	sld [smem:$0x3FAF]  }
0x2b: {  	s6 =	sld [smem:$0x3FB0]  }
0x2c: {  	s7 =	sld [smem:$0x3FB1]  }
0x2d: {  	s3 =	simm.s32 $0x108;
	s8 =	sld [smem:$0x3FB2]  }
0x2e: {  	s3 =	simm.s32 @!p0 $0x1082;
	s9 =	sld [smem:$0x3FB3]  }
0x2f: {  	lr =	sadd.s32 s0, s3;
	s0 =	sld [smem:$0x3FAA]  }
0x30: {  	s3 =	sld [smem:$0x3FAD]  }
0x31: {  	[smem:$0x3FB6] =	sst s10  }
0x32: {  	s10 =	sld [smem:$0x3FB4];
	_ =	sdelay $0x3  }
0x33: {  	p0 =	seq.s32 s10, $0x1;
	s10 =	sld [smem:$0x3FB6];
	_ =	sdelay $0x3  }
0x34: {  	[smem:$0x3FB6] =	sst s10  }
0x35: {  	s10 =	sld [smem:$0x3FB5];
	_ =	sdelay $0x3  }
0x36: {  	p1 =	seq.s32 s10, $0x1;
	s10 =	sld [smem:$0x3FB6];
	_ =	sdelay $0x3  }
0x37: {  	[smem:$0x3FB6] =	sst s10  }
0x38: {  	s10 =	sld [smem:$0x3FB7]  }
0x39: {  	_ = 	snop;
	(pc) =	sbr.ind lr, $3  }
0x3a: {  	_ = 	snop  }
0x3b: {  	_ = 	snop  }
0x3c: {  	p2 =	seq.s32 s10, $0x1;
	s10 =	sld [smem:$0x3FB6]  }
0x3d: {  	_ =	shalt  }
0x3e: {  	_ =	shalt  }
0x3f: {  	_ =	shalt  }
0x40: {  	_ =	shalt  }
0x41: {  	_ =	shalt  }
0x42: {  	_ =	shalt  }
0x43: {  	_ =	shalt  }
0x44: {  	_ =	shalt  }
0x45: {  	_ =	shalt  }
0x46: {  	_ =	shalt  }
0x47: {  	_ =	shalt  }
0x48: {  	_ =	shalt  }
0x49: {  	_ =	shalt  }
0x4a: {  	_ =	shalt  }
0x4b: {  	_ =	shalt  }
0x4c: {  	_ =	shalt  }
0x4d: {  	_ =	shalt  }
0x4e: {  	_ =	shalt  }
0x4f: {  	_ =	shalt  }
0x50: {  	_ =	shalt  }
0x51: {  	_ =	shalt  }
0x52: {  	_ =	shalt  }
0x53: {  	_ =	shalt  }
0x54: {  	_ =	shalt  }
0x55: {  	_ =	shalt  }
0x56: {  	_ =	shalt  }
0x57: {  	_ =	shalt  }
0x58: {  	_ =	shalt  }
0x59: {  	_ =	shalt  }
0x5a: {  	_ =	shalt  }
0x5b: {  	_ =	shalt  }
0x5c: {  	_ =	shalt  }
0x5d: {  	_ =	shalt  }
0x5e: {  	_ =	shalt  }
0x5f: {  	_ =	shalt  }
0x60: {  	_ =	shalt  }
0x61: {  	_ =	shalt  }
0x62: {  	_ =	shalt  }
0x63: {  	_ =	shalt  }
0x64: {  	_ =	shalt  }
0x65: {  	_ =	shalt  }
0x66: {  	_ =	shalt  }
0x67: {  	_ =	shalt  }
0x68: {  	_ =	shalt  }
0x69: {  	_ =	shalt  }
0x6a: {  	_ =	shalt  }
0x6b: {  	_ =	shalt  }
0x6c: {  	_ =	shalt  }
0x6d: {  	_ =	shalt  }
0x6e: {  	_ =	shalt  }
0x6f: {  	_ =	shalt  }
0x70: {  	_ =	shalt  }
0x71: {  	_ =	shalt  }
0x72: {  	_ =	shalt  }
0x73: {  	_ =	shalt  }
0x74: {  	_ =	shalt  }
0x75: {  	_ =	shalt  }
0x76: {  	_ =	shalt  }
0x77: {  	_ =	shalt  }
0x78: {  	_ =	shalt  }
0x79: {  	_ =	shalt  }
0x7a: {  	_ =	shalt  }
0x7b: {  	_ =	shalt  }
0x7c: {  	_ =	shalt  }
0x7d: {  	_ =	shalt  }
0x7e: {  	_ =	shalt  }
0x7f: {  	_ =	shalt  }
0x80: {  	_ =	shalt  }
0x81: {  	_ =	shalt  }
0x82: {  	_ =	shalt  }
0x83: {  	_ =	shalt  }
0x84: {  	_ =	shalt  }
0x85: {  	_ =	shalt  }
0x86: {  	_ =	shalt  }
0x87: {  	_ =	shalt  }
.Lfunc_end0:
.L_simem_size_0:
called_computation.2_lowered:
.L_overlay_start_0:
0x88: {  	s2 =	sld [smem:$0x3FD9]  }
0x89: {  	s3 =	sld [smem:$0x3FFE];
	_ =	sdelay $0x1  }
0x8a: {  	s1 =	srdreg.scid  }
0x8b: {  	s0 =	sand.u32 $0x1, s1  }
0x8c: {  	s16 =	sshll.u32 s0, $0xA;
	s2 =	sadd.s32 s3, s2  }
0x8d: {  	s2 =	sadd.s32 s2, s16  }
0x8e: {  	[smem:$0x3FC2] =	sst s2  }
0x8f: {  	_ = 	snop  }
0x90: {  	(tm) =	ssettm $0x1  }
0x91: {  	s17 =	sld [smem:$0x3FFB];
	_ =	sdelay $0x3  }
0x92: {  	_ =	strace s17  }
0x93: {  	s2 =	sld [smem:$0x3FFC];
	_ =	sdelay $0x3  }
0x94: {  	_ =	strace s2  }
0x95: {  	s2 =	sld [smem:$0x3FFD];
	_ =	sdelay $0x3  }
0x96: {  	_ =	strace s2  }
0x97: {  	_ =	strace $0x8FFFFFFF  }
0x98: {  	s18 =	sld [smem:$0x3FDB];
	_ =	sdelay $0x1  }
0x99: {  	s19 =	simm.s32 $_scs_section_size  }
0x9a: {  	s4 =	simm.s32 $_size__tile_overlayer_lowered;
	s5 =	simm.s32 $_tile_overlayer_lowered  }
0x9b: {  	s22 =	simm.s32 $0x1BFF;
	s21 =	sshll.u32 s5, $0x1;
	s2 =	sadd.s32 s19, s18  }
0x9c: {  	s6 =	simm.s32 $0x0;
	s20 =	sshll.u32 s4, $0x1;
	s4 =	sadd.s32 s21, s2  }
0x9d: {  	[timem:s6], [sflag:s22] =	dma.local [hbm:s4], s20  }
0x9e: {  	_ =	swait.ge [sflag:s22], s20  }
0x9f: {  	s3 =	ssub.s32 $0x0, s20;
	[sflag:s22] =	ssyncset.done $0x0  }
0xa0: {  	[sflag:s22] =	ssyncadd.s32 s3;
	_ =	sdelay $0x1  }
0xa1: {  	s23 =	simm.s32 $0x1B8B  }
0xa2: {  	_ =	swait.ge [sflag:s23], $0x1  }
0xa3: {  	[sflag:s23] =	ssyncset.done $0x0  }
0xa4: {  	s25 =	simm.s32 $0x1B8E;
	s24 =	sld [smem:$0x3FFE];
	[sflag:s23] =	ssyncadd.s32 $0xFFFFFFFF  }
0xa5: {  	s26 =	simm.s32 $execute0_lowered;
	[smem:$0x3FD2] =	sst s25  }
0xa6: {  	s4 =	sshll.u32 s26, $0x1;
	_ =	strace $0x80000050;
	[dreg:$0x1] =	wrdreg $0xFFFFFFFF  }
0xa7: {  	s28 =	simm.s32 $_size_execute0_lowered;
	s2 =	sadd.s32 s2, s4;
	[dreg:$0x0] =	wrdreg $0x0  }
0xa8: {  	s4 =	sshll.u32 s28, $0x1;
	[dreg:$0x2] =	wrdreg s2  }
0xa9: {  	[dreg:$0x3] =	wrdreg s4  }
0xaa: {  	[dreg:$0x4] =	wrdreg $0xC0  }
0xab: {  	_ =	task [dreg:s6], $0x5FFFF  }
0xac: {  	[dreg:$0x1] =	wrdreg $0xFFFFFFFF  }
0xad: {  	[dreg:$0x0] =	wrdreg $0x60  }
0xae: {  	[dreg:$0x2] =	wrdreg s24  }
0xaf: {  	[dreg:$0x3] =	wrdreg $0x9C400  }
0xb0: {  	[dreg:$0x4] =	wrdreg $0x9  }
0xb1: {  	_ =	task.clear_ibuf [dreg:s6], $0x5FFFF;
	_ =	strace $0x90000050  }
0xb2: {  	s29 =	simm.s32 $0x9;
	_ =	strace $0x80000052  }
0xb3: {  	_ =	swait.ge [sflag:s29], $0x1  }
0xb4: {  	[sflag:s29] =	ssyncadd.s32 $0xFFFFFFFF  }
0xb5: {  	_ =	strace $0x90000052  }
0xb6: {  	_ =	sfence  }
0xb7: {  	s30 =	sld [smem:$0x0];
	_ =	sdelay $0x2  }
0xb8: {  	s31 =	sshll.u32 s1, $0xD;
	s1 =	sshrl.u32 s1, $0x2  }
0xb9: {  	s3 =	sand.u32 $0x4000, s31;
	s1 =	sadd.s32 s1, s30  }
0xba: {  	s0 =	sor.u32 s3, s0;
	s1 =	sshll.u32 s1, $0x11  }
0xbb: {  	s0 =	sor.u32 s1, s0  }
0xbc: {  	s0 =	sadd.s32 $0x8F2B, s0  }
0xbd: {  	[sflag:s0] =	ssyncadd.remote.s32 $0x1  }
0xbe: {  	_ =	sfence.sel $0xFFFF  }
0xbf: {  	[dreg:$0x0] =	wrdreg $0xFFFFFFFF;
	(pc) =	sbr.abs _section_cstart, $3  }
0xc0: {  	[dreg:$0x1] =	wrdreg $0xFFFFFFFF  }
0xc1: {  	_ =	task.clear_ibuf [dreg:s6], $0x2FFFF;
	_ =	strace $0x9FFFFFFF  }
0xc2: {  	(tm) =	ssettm $0x7FFFFFFF  }
0xc3: {  	_ =	shalt  }
tec
execute0_lowered:
.L_overlay_start_1:
0x0: {  	(tag) =	ssettag $0x1  }
0x1: {  	s0 =	rddreg [dreg:$0x0]  }
0x2: {  	s1 =	rddreg [dreg:$0x1];
	s3 =	simm.s32 $0x0;
	s15 =	stileid.u32  }
0x3: {  	s2 =	srdreg.scid;
	s28 =	simm.s32 $0x3E80;
	s29 =	simm.s32 $0x3  }
0x4: {  	s30 =	simm.s32 $0x4;
	s31 =	simm.s32 $0x0;
	[smem:$0x7FF] =	sst s3  }
0x5: {  	s4 =	sadd.s32 $0xDEA00, s0;
	s7 =	smul.u32 $0xC380, s15;
	s2 =	sand.u32 $0x1, s2  }
0x6: {  	s5 =	sadd.s32 $0x2A00, s0;
	s6 =	sadd.s32 $0x64600, s0;
	s10 =	smul.u32 $0x1870, s15  }
0x7: {  	s21 =	sshll.u32 s15, $0x6;
	s22 =	smul.u32 $0x186A0, s15;
	_ =	strace $0x80000051  }
0x8: {  	s8 =	sshll.u32 s2, $0x4;
	s11 =	ssub.s32 $0x2, s2;
	s19 =	smul.u32 $0x186A00, s2  }
0x9: {  	s2 =	smul.u32 $0x18700, s2;
	s9 =	sshrl.u32 s7, $0x3;
	s8 =	sor.u32 s15, s8  }
0xa: {  	s18 =	sshrl.u32 s11, $0x1;
	s9 =	sadd.s32 s9, s0;
	s12 =	smul.u32 $0x30D4, s8  }
0xb: {  	s0 =	sadd.s32 s10, s0;
	s13 =	smul.u32 $0x186A0, s8;
	s14 =	ssub.s32 s11, s18  }
0xc: {  	s18 =	sadd.s32 s7, s1;
	s8 =	sor.u32 $0x1C05, s21;
	s17 =	sadd.s32 s22, s19  }
0xd: {  	s19 =	simm.s32 $0x5;
	s21 =	simm.s32 $0x84D0;
	s22 =	simm.s32 $0x1  }
0xe: {  	s20 =	sadd.s32 $0xC6200, s9;
	s25 =	sadd.s32 $0x1770, s17;
	s0 =	sadd.s32 s2, s0  }
0xf: {  	s14 =	smax.u32 s14, $0x1;
	s17 =	sadd.s32 $0xFA0, s17;
	s18 =	sshrl.u32 s18, $0x3  }
0x10: {  	[dreg:$0x3] =	wrdreg s20;
	s23 =	sadd.s32 s5, s12;
	s13 =	sshrl.u32 s13, $0x3  }
0x11: {  	s24 =	sadd.s32 s6, s12;
	s26 =	sshrl.u32 s25, $0x3;
	s20 =	simm.s32 $0x7D00  }
0x12: {  	s25 =	simm.s32 $0x9470;
	[dreg:$0x4] =	wrdreg s23;
	s13 =	sadd.s32 $0xFA, s13  }
0x13: {  	[dreg:$0x5] =	wrdreg s24;
	s15 =	sadd.s32 s26, s6;
	s16 =	sadd.s32 s26, s5  }
0x14: {  	s23 =	simm.s32 $0x7D0;
	s24 =	simm.s32 $0x8CA0;
	s26 =	simm.s32 $0x2  }
0x15: {  	s11 =	sadd.s32 s5, s13;
	s12 =	sadd.s32 s6, s13;
	s13 =	sadd.s32 $0xF7200, s0  }
.LBB2_1:
0x16: {  	s0 =	rddreg [dreg:$0x3]  }
0x17: {  	[spmem:s18], [sflag:s8] =	dma.local [hbm:s0], $0x1870  }
0x18: {  	_ =	swait.ge [sflag:s19], $0x1870  }
0x19: {  	[sflag:s19] =	ssyncset.done $0x0  }
0x1a: {  	[sflag:s19] =	ssyncadd.s32 $0xFFFFE790  }
0x1b: {  	[bflag:$0x0] =	sbarrier.arrive $0xFFFF  }
0x1c: {  	s10 =	rddreg [dreg:$0x4]  }
0x1d: {  	[tilespmem:s20], [sflag:$0x1] =	stream.linear.gather [hbm4b:s10+s3], $0x7D0, $0x38;
	[tilespmem:$0x15FC0] =	vst v63  }
0x1e: {  	s2 =	rddreg [dreg:$0x5]  }
0x1f: {  	[tilespmem:s21], [sflag:$0x1] =	stream.linear.gather [hbm4b:s2+s3], $0x7D0, $0x38;
	[tilespmem:$0x15FC0] =	vst v63  }
0x20: {  	_ =	swait.ge [sflag:s22], $0x7D0  }
0x21: {  	[sflag:s22] =	ssyncset.done $0x0  }
0x22: {  	[sflag:s22] =	ssyncadd.s32 $0xFFFFF830  }
0x23: {  	_ =	swait.ge [sflag:s22], $0x7D0  }
0x24: {  	[sflag:s22] =	ssyncset.done $0x0  }
0x25: {  	[sflag:s22] =	ssyncadd.s32 $0xFFFFF830  }
0x26: {  	[tilespmem:s3], [sflag:$0x3] =	stream.indirect.gather [hbm4b:s4+s23], $0x8, s20, s23, $0xb8;
	[tilespmem:$0x15FC0] =	vst v63  }
0x27: {  	_ = 	snop  }
0x28: {  	[tilespmem:s24], [sflag:$0x2] =	stream.linear.gather [hbm4b:s11+s3], $0x7D0, $0x38;
	[tilespmem:$0x15FC0] =	vst v63  }
0x29: {  	_ = 	snop  }
0x2a: {  	[tilespmem:s25], [sflag:$0x2] =	stream.linear.gather [hbm4b:s12+s3], $0x7D0, $0x38;
	[tilespmem:$0x15FC0] =	vst v63  }
0x2b: {  	_ =	swait.ge [sflag:s26], $0x7D0  }
0x2c: {  	[sflag:s26] =	ssyncset.done $0x0  }
0x2d: {  	[sflag:s26] =	ssyncadd.s32 $0xFFFFF830  }
0x2e: {  	_ =	swait.ge [sflag:s26], $0x7D0  }
0x2f: {  	[sflag:s26] =	ssyncset.done $0x0  }
0x30: {  	[sflag:s26] =	ssyncadd.s32 $0xFFFFF830  }
0x31: {  	[tilespmem:s28], [sflag:$0x4] =	stream.indirect.gather [hbm4b:s4+s23], $0x8, s24, s23, $0xb8;
	[tilespmem:$0x15FC0] =	vst v63  }
0x32: {  	_ =	swait.ge [sflag:s29], $0x3E80  }
0x33: {  	[sflag:s29] =	ssyncset.done $0x0  }
0x34: {  	[sflag:s29] =	ssyncadd.s32 $0xFFFFC180  }
0x35: {  	[spmem:s1] =	stream.indirect.scatter.add.f32 [tilespmem:s3], [sflag:$0x5], $0x8, s21, s23, $0xb8;
	[tilespmem:$0x15FC0] =	vst v63  }
0x36: {  	_ =	swait.ge [sflag:s19], $0x3E80  }
0x37: {  	s7 =	sshrl.u32 s17, $0x3;
	[sflag:s19] =	ssyncset.done $0x0  }
0x38: {  	s2 =	sadd.s32 s5, s7;
	[sflag:s19] =	ssyncadd.s32 $0xFFFFC180  }
0x39: {  	[tilespmem:s20], [sflag:$0x1] =	stream.linear.gather [hbm4b:s2+s3], $0x7D0, $0x38;
	[tilespmem:$0x15FC0] =	vst v63  }
0x3a: {  	s0 =	sadd.s32 s6, s7  }
0x3b: {  	[tilespmem:s21], [sflag:$0x1] =	stream.linear.gather [hbm4b:s0+s3], $0x7D0, $0x38;
	[tilespmem:$0x15FC0] =	vst v63  }
0x3c: {  	_ =	swait.ge [sflag:s22], $0x7D0  }
0x3d: {  	[sflag:s22] =	ssyncset.done $0x0  }
0x3e: {  	[sflag:s22] =	ssyncadd.s32 $0xFFFFF830  }
0x3f: {  	_ =	swait.ge [sflag:s22], $0x7D0  }
0x40: {  	[sflag:s22] =	ssyncset.done $0x0  }
0x41: {  	[sflag:s22] =	ssyncadd.s32 $0xFFFFF830  }
0x42: {  	[tilespmem:s3], [sflag:$0x3] =	stream.indirect.gather [hbm4b:s4+s23], $0x8, s20, s23, $0xb8;
	[tilespmem:$0x15FC0] =	vst v63  }
0x43: {  	_ =	swait.ge [sflag:s30], $0x3E80  }
0x44: {  	[sflag:s30] =	ssyncset.done $0x0  }
0x45: {  	[sflag:s30] =	ssyncadd.s32 $0xFFFFC180  }
0x46: {  	[spmem:s1] =	stream.indirect.scatter.add.f32 [tilespmem:s28], [sflag:$0x5], $0x8, s25, s23, $0xb8;
	[tilespmem:$0x15FC0] =	vst v63  }
0x47: {  	_ =	swait.ge [sflag:s19], $0x3E80  }
0x48: {  	[sflag:s19] =	ssyncset.done $0x0  }
0x49: {  	s9 =	sadd.s32 $0x0, s16;
	[sflag:s19] =	ssyncadd.s32 $0xFFFFC180  }
0x4a: {  	[tilespmem:s24], [sflag:$0x2] =	stream.linear.gather [hbm4b:s9+s3], $0x7D0, $0x38;
	[tilespmem:$0x15FC0] =	vst v63  }
0x4b: {  	s10 =	sadd.s32 $0x0, s15  }
0x4c: {  	[tilespmem:s25], [sflag:$0x2] =	stream.linear.gather [hbm4b:s10+s3], $0x7D0, $0x38;
	[tilespmem:$0x15FC0] =	vst v63  }
0x4d: {  	_ =	swait.ge [sflag:s26], $0x7D0  }
0x4e: {  	[sflag:s26] =	ssyncset.done $0x0  }
0x4f: {  	[sflag:s26] =	ssyncadd.s32 $0xFFFFF830  }
0x50: {  	_ =	swait.ge [sflag:s26], $0x7D0  }
0x51: {  	[sflag:s26] =	ssyncset.done $0x0  }
0x52: {  	s2 =	sadd.s32 $0xFA0, s17;
	s0 =	simm.s32 $0x1F4;
	[sflag:s26] =	ssyncadd.s32 $0xFFFFF830  }
.LBB2_2:
0x53: {  	[tilespmem:s28], [sflag:$0x4] =	stream.indirect.gather [hbm4b:s4+s23], $0x8, s24, s23, $0xb8;
	[tilespmem:$0x15FC0] =	vst v63  }
0x54: {  	s7 =	smov.u32 s0  }
0x55: {  	p0 =	sne.s32 s0, $0x2CEC;
	s0 =	sadd.s32 $0x1F4, s0;
	_ =	swait.ge [sflag:s29], $0x3E80  }
0x56: {  	[sflag:s29] =	ssyncset.done $0x0  }
0x57: {  	[sflag:s29] =	ssyncadd.s32 $0xFFFFC180  }
0x58: {  	[spmem:s1] =	stream.indirect.scatter.add.f32 [tilespmem:s3], [sflag:$0x5], $0x8, s21, s23, $0xb8;
	[tilespmem:$0x15FC0] =	vst v63  }
0x59: {  	_ =	swait.ge [sflag:s19], $0x3E80  }
0x5a: {  	s9 =	sshrl.u32 s2, $0x3;
	[sflag:s19] =	ssyncset.done $0x0  }
0x5b: {  	s10 =	sadd.s32 s5, s9;
	[sflag:s19] =	ssyncadd.s32 $0xFFFFC180  }
0x5c: {  	[tilespmem:s20], [sflag:$0x1] =	stream.linear.gather [hbm4b:s10+s3], $0x7D0, $0x38;
	[tilespmem:$0x15FC0] =	vst v63  }
0x5d: {  	s9 =	sadd.s32 s6, s9  }
0x5e: {  	[tilespmem:s21], [sflag:$0x1] =	stream.linear.gather [hbm4b:s9+s3], $0x7D0, $0x38;
	[tilespmem:$0x15FC0] =	vst v63  }
0x5f: {  	_ =	swait.ge [sflag:s22], $0x7D0  }
0x60: {  	[sflag:s22] =	ssyncset.done $0x0  }
0x61: {  	[sflag:s22] =	ssyncadd.s32 $0xFFFFF830  }
0x62: {  	_ =	swait.ge [sflag:s22], $0x7D0  }
0x63: {  	[sflag:s22] =	ssyncset.done $0x0  }
0x64: {  	[sflag:s22] =	ssyncadd.s32 $0xFFFFF830  }
0x65: {  	[tilespmem:s3], [sflag:$0x3] =	stream.indirect.gather [hbm4b:s4+s23], $0x8, s20, s23, $0xb8;
	[tilespmem:$0x15FC0] =	vst v63  }
0x66: {  	_ =	swait.ge [sflag:s30], $0x3E80  }
0x67: {  	[sflag:s30] =	ssyncset.done $0x0  }
0x68: {  	[sflag:s30] =	ssyncadd.s32 $0xFFFFC180  }
0x69: {  	[spmem:s1] =	stream.indirect.scatter.add.f32 [tilespmem:s28], [sflag:$0x5], $0x8, s25, s23, $0xb8;
	[tilespmem:$0x15FC0] =	vst v63  }
0x6a: {  	_ =	swait.ge [sflag:s19], $0x3E80  }
0x6b: {  	[sflag:s19] =	ssyncset.done $0x0  }
0x6c: {  	s9 =	sadd.s32 s7, s16;
	[sflag:s19] =	ssyncadd.s32 $0xFFFFC180  }
0x6d: {  	[tilespmem:s24], [sflag:$0x2] =	stream.linear.gather [hbm4b:s9+s3], $0x7D0, $0x38;
	[tilespmem:$0x15FC0] =	vst v63  }
0x6e: {  	s7 =	sadd.s32 s7, s15  }
0x6f: {  	[tilespmem:s25], [sflag:$0x2] =	stream.linear.gather [hbm4b:s7+s3], $0x7D0, $0x38;
	[tilespmem:$0x15FC0] =	vst v63  }
0x70: {  	_ =	swait.ge [sflag:s26], $0x7D0  }
.Ltmp0:
0x71: {  	[sflag:s26] =	ssyncset.done $0x0;
	(pc) =	sbr.rel @p0 .LBB2_2-.Ltmp0, $4  }
0x72: {  	[sflag:s26] =	ssyncadd.s32 $0xFFFFF830  }
0x73: {  	_ =	swait.ge [sflag:s26], $0x7D0  }
0x74: {  	[sflag:s26] =	ssyncset.done $0x0  }
0x75: {  	s2 =	sadd.s32 $0xFA0, s2;
	[sflag:s26] =	ssyncadd.s32 $0xFFFFF830  }
0x76: {  	[tilespmem:s28], [sflag:$0x4] =	stream.indirect.gather [hbm4b:s4+s23], $0x8, s24, s23, $0xb8;
	[tilespmem:$0x15FC0] =	vst v63  }
0x77: {  	_ =	swait.ge [sflag:s29], $0x3E80  }
0x78: {  	[sflag:s29] =	ssyncset.done $0x0  }
0x79: {  	[sflag:s29] =	ssyncadd.s32 $0xFFFFC180  }
0x7a: {  	[spmem:s1] =	stream.indirect.scatter.add.f32 [tilespmem:s3], [sflag:$0x5], $0x8, s21, s23, $0xb8;
	[tilespmem:$0x15FC0] =	vst v63  }
0x7b: {  	_ =	swait.ge [sflag:s19], $0x3E80  }
0x7c: {  	[sflag:s19] =	ssyncset.done $0x0  }
0x7d: {  	[sflag:s19] =	ssyncadd.s32 $0xFFFFC180  }
0x7e: {  	_ =	swait.ge [sflag:s30], $0x3E80  }
0x7f: {  	[sflag:s30] =	ssyncset.done $0x0  }
0x80: {  	[sflag:s30] =	ssyncadd.s32 $0xFFFFC180  }
0x81: {  	[spmem:s1] =	stream.indirect.scatter.add.f32 [tilespmem:s28], [sflag:$0x5], $0x8, s25, s23, $0xb8;
	[tilespmem:$0x15FC0] =	vst v63  }
0x82: {  	_ =	swait.ge [sflag:s19], $0x3E80  }
0x83: {  	s31 =	sadd.s32 $0x1, s31;
	[sflag:s19] =	ssyncset.done $0x0  }
0x84: {  	p0 =	sne.s32 s31, s14;
	[sflag:s19] =	ssyncadd.s32 $0xFFFFC180  }
.Ltmp1:
0x85: {  	[bflag:$0x0] =	sbarrier.arrive $0xFFFF;
	(pc) =	sbr.rel @p0 .LBB2_1-.Ltmp1, $4  }
0x86: {  	[hbm:s13], [sflag:s8] =	dma.local [spmem:s18], $0x1870  }
0x87: {  	_ =	swait.ge [sflag:s19], $0x1870  }
0x88: {  	[sflag:s19] =	ssyncset.done $0x0  }
0x89: {  	[sflag:s19] =	ssyncadd.s32 $0xFFFFE790  }
0x8a: {  	_ =	sfence.sel $0x180000  }
0x8b: {  	[bflag:$0x0] =	sbarrier.arrive $0xFFFF  }
0x8c: {  	_ =	strace $0x90000051  }
0x8d: {  	s0 =	stileid.u32;
	[bflag:$0x2] =	sbarrier.arrive $0xFFFF  }
0x8e: {  	p0 =	sne.s32 s0, $0x0;
	s0 =	rddreg [dreg:$0x2]  }
0x8f: {  	s0 =	sadd.s32 @!p0 $0x100000, s0  }
0x90: {  	[sflag:s0] =	ssyncadd.tile.s32 @!p0 $0x1;
	_ =	shalt  }
.Lfunc_end2:
_tile_overlayer_lowered:
.L_overlay_start_2:
0x91: {  	(tag) =	ssettag $0x2  }
0x92: {  	s0 =	rddreg [dreg:$0x0];
	s2 =	stileid.u32  }
0x93: {  	s1 =	rddreg [dreg:$0x1];
	p0 =	sne.s32 s2, $0x0  }
0x94: {  	s3 =	rddreg [dreg:$0x2];
	[bflag:$0x3] =	sbarrier.arrive $0xFFFF;
	s2 =	simm.s32 @!p0 $0x1C05  }
0x95: {  	[timem:s3], [sflag:s2] =	dma.local @!p0 [hbm:s0], s1  }
0x96: {  	s0 =	simm.s32 @!p0 $0x5  }
0x97: {  	_ =	swait.ge @!p0 [sflag:s0], s1  }
0x98: {  	s1 =	ssub.s32 @!p0 $0x0, s1;
	[sflag:s0] =	ssyncset.done @!p0 $0x0  }
0x99: {  	[sflag:s0] =	ssyncadd.s32 @!p0 s1  }
0x9a: {  	[bflag:$0x3] =	sbarrier.arrive $0xFFFF  }
0x9b: {  	_ =	shalt  }

// kernel: kernel.8.cloned.1.call-start
scs
__scs_entry_jumppad:
0x0: {  	(pc) =	sbr.rel $0x88, $3  }
0x1: {  	(tag) =	ssettag $0x0;
	lr =	simm.s32 $0x1  }
0x2: {  	[smem:$0x3F9B] =	sst lr;
	_ =	strace $0xD0000000  }
0x3: {  	_ = 	snop  }
0x4: {  	_ = 	snop  }
0x5: {  	_ = 	snop  }
0x6: {  	_ = 	snop  }
0x7: {  	_ = 	snop  }
__scs_overlays_trampoline_lowered:
0x8: {  	[smem:$0x3FAA] =	sst s0  }
0x9: {  	[smem:$0x3FAB] =	sst s1  }
0xa: {  	[smem:$0x3FAC] =	sst s2  }
0xb: {  	[smem:$0x3FAD] =	sst s3  }
0xc: {  	[smem:$0x3FAE] =	sst s4  }
0xd: {  	[smem:$0x3FAF] =	sst s5  }
0xe: {  	[smem:$0x3FB0] =	sst s6  }
0xf: {  	[smem:$0x3FB1] =	sst s7  }
0x10: {  	[smem:$0x3FB2] =	sst s8  }
0x11: {  	[smem:$0x3FB3] =	sst s9;
	s0 =	simm.s32 @!p0 $0x0  }
0x12: {  	s1 =	sld [smem:$0x3F99];
	s0 =	simm.s32 @p0 $0x1  }
0x13: {  	[smem:$0x3FB4] =	sst s0;
	s0 =	simm.s32 @!p1 $0x0  }
0x14: {  	s2 =	sld [smem:$0x3F98];
	s0 =	simm.s32 @p1 $0x1  }
0x15: {  	[smem:$0x3FB5] =	sst s0;
	s0 =	simm.s32 @!p2 $0x0  }
0x16: {  	s3 =	sld [smem:$0x3FDB];
	s0 =	simm.s32 @p2 $0x1  }
0x17: {  	s4 =	simm.s32 $0x1BF5;
	[smem:$0x3FB7] =	sst s0  }
0x18: {  	s0 =	sld [smem:$0x3F9A];
	_ =	swait.ge [sflag:s4], $0x0  }
0x19: {  	s7 =	sld [smem:$0x3F9B]  }
0x1a: {  	s8 =	sadd.s32 $0xFFFFE003, lr  }
0x1b: {  	s9 =	sadd.s32 $0xFFFFFEF7, lr;
	s5 =	simm.s32 $0xFFFFFFFF;
	p2 =	slt.u32 s8, $0xFFFFF086  }
0x1c: {  	p1 =	slt.u32 s9, $0xF7A;
	s5 =	simm.s32 @!p2 $0x0  }
0x1d: {  	s5 =	simm.s32 @p1 $0x1;
	p0 =	seq.s32 s7, s2  }
0x1e: {  	s7 =	smul.u32 @!p0 $0xF7A, s2;
	p2 =	seq.s32 @!p0 s5, $0x0  }
0x1f: {  	s9 =	smul.u32 $0xF7A, s1;
	s8 =	simm.s32 @!p0 $0x1BF5;
	p2 =	por !p2, p0  }
0x20: {  	[sflag:s8] =	ssyncset.s32 @!p0 $0xFFFFF086;
	s6 =	sadd.s32 @!p0 s3, s7;
	s7 =	simm.s32 @!p0 $0x108  }
0x21: {  	s3 =	sadd.s32 s3, s9;
	s6 =	sadd.s32 @!p0 $0x88, s6;
	s7 =	simm.s32 @p2 $0x1082  }
0x22: {  	[simem:s7], [sflag:s8] =	dma.local @!p0 [hbm:s6], $0xF7A  }
0x23: {  	s9 =	sor.u32 $0xD0000000, s2;
	s6 =	simm.s32 $0x108;
	_ =	swait.ge @!p0 [sflag:s8], $0x0  }
0x24: {  	s3 =	sadd.s32 $0x88, s3;
	s6 =	simm.s32 @!p1 $0x1082;
	[sflag:s4] =	ssyncset.s32 $0xFFFFF086  }
0x25: {  	[simem:s6], [sflag:s4] =	dma.local [hbm:s3], $0xF7A  }
0x26: {  	[smem:$0x3F9B] =	sst s1;
	(tag) =	ssettag s2;
	_ =	strace s9  }
0x27: {  	s1 =	sld [smem:$0x3FAB]  }
0x28: {  	s2 =	sld [smem:$0x3FAC]  }
0x29: {  	s4 =	sld [smem:$0x3FAE]  }
0x2a: {  	p0 =	seq.s32 s5, $0x0;
	s5 =	sld [smem:$0x3FAF]  }
0x2b: {  	s6 =	sld [smem:$0x3FB0]  }
0x2c: {  	s7 =	sld [smem:$0x3FB1]  }
0x2d: {  	s3 =	simm.s32 $0x108;
	s8 =	sld [smem:$0x3FB2]  }
0x2e: {  	s3 =	simm.s32 @!p0 $0x1082;
	s9 =	sld [smem:$0x3FB3]  }
0x2f: {  	lr =	sadd.s32 s0, s3;
	s0 =	sld [smem:$0x3FAA]  }
0x30: {  	s3 =	sld [smem:$0x3FAD]  }
0x31: {  	[smem:$0x3FB6] =	sst s10  }
0x32: {  	s10 =	sld [smem:$0x3FB4];
	_ =	sdelay $0x3  }
0x33: {  	p0 =	seq.s32 s10, $0x1;
	s10 =	sld [smem:$0x3FB6];
	_ =	sdelay $0x3  }
0x34: {  	[smem:$0x3FB6] =	sst s10  }
0x35: {  	s10 =	sld [smem:$0x3FB5];
	_ =	sdelay $0x3  }
0x36: {  	p1 =	seq.s32 s10, $0x1;
	s10 =	sld [smem:$0x3FB6];
	_ =	sdelay $0x3  }
0x37: {  	[smem:$0x3FB6] =	sst s10  }
0x38: {  	s10 =	sld [smem:$0x3FB7]  }
0x39: {  	_ = 	snop;
	(pc) =	sbr.ind lr, $3  }
0x3a: {  	_ = 	snop  }
0x3b: {  	_ = 	snop  }
0x3c: {  	p2 =	seq.s32 s10, $0x1;
	s10 =	sld [smem:$0x3FB6]  }
0x3d: {  	_ =	shalt  }
0x3e: {  	_ =	shalt  }
0x3f: {  	_ =	shalt  }
0x40: {  	_ =	shalt  }
0x41: {  	_ =	shalt  }
0x42: {  	_ =	shalt  }
0x43: {  	_ =	shalt  }
0x44: {  	_ =	shalt  }
0x45: {  	_ =	shalt  }
0x46: {  	_ =	shalt  }
0x47: {  	_ =	shalt  }
0x48: {  	_ =	shalt  }
0x49: {  	_ =	shalt  }
0x4a: {  	_ =	shalt  }
0x4b: {  	_ =	shalt  }
0x4c: {  	_ =	shalt  }
0x4d: {  	_ =	shalt  }
0x4e: {  	_ =	shalt  }
0x4f: {  	_ =	shalt  }
0x50: {  	_ =	shalt  }
0x51: {  	_ =	shalt  }
0x52: {  	_ =	shalt  }
0x53: {  	_ =	shalt  }
0x54: {  	_ =	shalt  }
0x55: {  	_ =	shalt  }
0x56: {  	_ =	shalt  }
0x57: {  	_ =	shalt  }
0x58: {  	_ =	shalt  }
0x59: {  	_ =	shalt  }
0x5a: {  	_ =	shalt  }
0x5b: {  	_ =	shalt  }
0x5c: {  	_ =	shalt  }
0x5d: {  	_ =	shalt  }
0x5e: {  	_ =	shalt  }
0x5f: {  	_ =	shalt  }
0x60: {  	_ =	shalt  }
0x61: {  	_ =	shalt  }
0x62: {  	_ =	shalt  }
0x63: {  	_ =	shalt  }
0x64: {  	_ =	shalt  }
0x65: {  	_ =	shalt  }
0x66: {  	_ =	shalt  }
0x67: {  	_ =	shalt  }
0x68: {  	_ =	shalt  }
0x69: {  	_ =	shalt  }
0x6a: {  	_ =	shalt  }
0x6b: {  	_ =	shalt  }
0x6c: {  	_ =	shalt  }
0x6d: {  	_ =	shalt  }
0x6e: {  	_ =	shalt  }
0x6f: {  	_ =	shalt  }
0x70: {  	_ =	shalt  }
0x71: {  	_ =	shalt  }
0x72: {  	_ =	shalt  }
0x73: {  	_ =	shalt  }
0x74: {  	_ =	shalt  }
0x75: {  	_ =	shalt  }
0x76: {  	_ =	shalt  }
0x77: {  	_ =	shalt  }
0x78: {  	_ =	shalt  }
0x79: {  	_ =	shalt  }
0x7a: {  	_ =	shalt  }
0x7b: {  	_ =	shalt  }
0x7c: {  	_ =	shalt  }
0x7d: {  	_ =	shalt  }
0x7e: {  	_ =	shalt  }
0x7f: {  	_ =	shalt  }
0x80: {  	_ =	shalt  }
0x81: {  	_ =	shalt  }
0x82: {  	_ =	shalt  }
0x83: {  	_ =	shalt  }
0x84: {  	_ =	shalt  }
0x85: {  	_ =	shalt  }
0x86: {  	_ =	shalt  }
0x87: {  	_ =	shalt  }
.Lfunc_end0:
.L_simem_size_0:
called_computation_lowered:
.L_overlay_start_0:
0x88: {  	s2 =	sld [smem:$0x3FD9]  }
0x89: {  	s3 =	sld [smem:$0x3FFE];
	_ =	sdelay $0x1  }
0x8a: {  	s1 =	srdreg.scid  }
0x8b: {  	s0 =	sand.u32 $0x1, s1  }
0x8c: {  	s17 =	sshll.u32 s0, $0xA;
	s2 =	sadd.s32 s3, s2  }
0x8d: {  	s2 =	sadd.s32 s2, s17  }
0x8e: {  	[smem:$0x3FC2] =	sst s2  }
0x8f: {  	_ = 	snop  }
0x90: {  	s2 =	sld [smem:$0x3FD0];
	(tm) =	ssettm $0x1  }
0x91: {  	s18 =	sld [smem:$0x3FFB];
	_ =	sdelay $0x3  }
0x92: {  	_ =	strace s18  }
0x93: {  	s3 =	sld [smem:$0x3FFC];
	_ =	sdelay $0x3  }
0x94: {  	_ =	strace s3  }
0x95: {  	s3 =	sld [smem:$0x3FFD];
	_ =	sdelay $0x3  }
0x96: {  	_ =	strace s3  }
0x97: {  	_ =	strace $0x8FFFFFFF  }
0x98: {  	s19 =	sld [smem:$0x3FDB];
	_ =	sdelay $0x1  }
0x99: {  	s4 =	simm.s32 $_scs_section_size  }
0x9a: {  	s5 =	simm.s32 $_size__tile_overlayer_lowered;
	s6 =	simm.s32 $_tile_overlayer_lowered  }
0x9b: {  	s22 =	simm.s32 $0x1BFF;
	s21 =	sshll.u32 s6, $0x1;
	s3 =	sadd.s32 s4, s19  }
0x9c: {  	s7 =	simm.s32 $0x0;
	s20 =	sshll.u32 s5, $0x1;
	s5 =	sadd.s32 s21, s3  }
0x9d: {  	[timem:s7], [sflag:s22] =	dma.local [hbm:s5], s20  }
0x9e: {  	_ =	swait.ge [sflag:s22], s20  }
0x9f: {  	s4 =	ssub.s32 $0x0, s20;
	[sflag:s22] =	ssyncset.done $0x0  }
0xa0: {  	[sflag:s22] =	ssyncadd.s32 s4;
	_ =	sdelay $0x1  }
0xa1: {  	s23 =	simm.s32 $0x1B8B  }
0xa2: {  	_ =	swait.ge [sflag:s23], $0x1  }
0xa3: {  	[sflag:s23] =	ssyncset.done $0x0  }
0xa4: {  	s25 =	simm.s32 $0x1B8E;
	s24 =	sld [smem:$0x3FFE];
	[sflag:s23] =	ssyncadd.s32 $0xFFFFFFFF  }
0xa5: {  	s26 =	simm.s32 $execute0_lowered;
	[smem:$0x3FD2] =	sst s25  }
0xa6: {  	s5 =	sshll.u32 s26, $0x1;
	_ =	strace $0x80000046;
	[dreg:$0x1] =	wrdreg $0xFFFFFFFF  }
0xa7: {  	s28 =	simm.s32 $_size_execute0_lowered;
	s3 =	sadd.s32 s3, s5;
	[dreg:$0x0] =	wrdreg $0x0  }
0xa8: {  	s5 =	sshll.u32 s28, $0x1;
	[dreg:$0x2] =	wrdreg s3  }
0xa9: {  	[dreg:$0x3] =	wrdreg s5  }
0xaa: {  	[dreg:$0x4] =	wrdreg $0xC0  }
0xab: {  	_ =	task [dreg:s7], $0x5FFFF  }
0xac: {  	[dreg:$0x1] =	wrdreg $0xFFFFFFFF  }
0xad: {  	[dreg:$0x0] =	wrdreg $0x60  }
0xae: {  	[dreg:$0x2] =	wrdreg s24  }
0xaf: {  	[dreg:$0x3] =	wrdreg s2  }
0xb0: {  	[dreg:$0x4] =	wrdreg $0x7D000  }
0xb1: {  	[dreg:$0x5] =	wrdreg $0x9  }
0xb2: {  	_ =	task.clear_ibuf [dreg:s7], $0x6FFFF;
	_ =	strace $0x90000046  }
0xb3: {  	s29 =	simm.s32 $0x9;
	_ =	strace $0x8000004C  }
0xb4: {  	_ =	swait.ge [sflag:s29], $0x1  }
0xb5: {  	[sflag:s29] =	ssyncadd.s32 $0xFFFFFFFF  }
0xb6: {  	_ =	strace $0x9000004C  }
0xb7: {  	_ =	sfence  }
0xb8: {  	s30 =	sld [smem:$0x0];
	_ =	sdelay $0x2  }
0xb9: {  	s31 =	sshll.u32 s1, $0xD;
	s1 =	sshrl.u32 s1, $0x2  }
0xba: {  	s3 =	sand.u32 $0x4000, s31;
	s1 =	sadd.s32 s1, s30  }
0xbb: {  	s0 =	sor.u32 s3, s0;
	s1 =	sshll.u32 s1, $0x11  }
0xbc: {  	s0 =	sor.u32 s1, s0  }
0xbd: {  	s0 =	sadd.s32 $0x8F2B, s0  }
0xbe: {  	[sflag:s0] =	ssyncadd.remote.s32 $0x1  }
0xbf: {  	_ =	sfence.sel $0xFFFF  }
0xc0: {  	[dreg:$0x0] =	wrdreg $0xFFFFFFFF;
	(pc) =	sbr.abs _section_cstart, $3  }
0xc1: {  	[dreg:$0x1] =	wrdreg $0xFFFFFFFF  }
0xc2: {  	_ =	task.clear_ibuf [dreg:s7], $0x2FFFF;
	_ =	strace $0x9FFFFFFF  }
0xc3: {  	(tm) =	ssettm $0x7FFFFFFF  }
tec
execute0_lowered:
.L_overlay_start_1:
0x0: {  	(tag) =	ssettag $0x1  }
0x1: {  	s6 =	rddreg [dreg:$0x0]  }
0x2: {  	s1 =	rddreg [dreg:$0x1]  }
0x3: {  	s3 =	rddreg [dreg:$0x2]  }
0x4: {  	s0 =	rddreg [dreg:$0x3];
	s4 =	simm.s32 $0x0  }
0x5: {  	s2 =	stileid.u32;
	s5 =	srdreg.scid;
	s15 =	simm.s32 $0xFA0  }
0x6: {  	s16 =	simm.s32 $0x3;
	s17 =	simm.s32 $0x0;
	s7 =	smul.u32 $0xC380, s2  }
0x7: {  	[smem:$0x7FF] =	sst s4;
	s8 =	sand.u32 $0x1, s5;
	s10 =	smul.u32 $0x1870, s2  }
0x8: {  	s5 =	sadd.s32 $0x64600, s6;
	s30 =	sshll.u32 s2, $0x6;
	_ =	strace $0x80000047  }
0x9: {  	s11 =	ssub.s32 $0x2, s8;
	s28 =	sshll.u32 s8, $0x4;
	s14 =	smul.u32 $0x18700, s8  }
0xa: {  	s9 =	sshrl.u32 s7, $0x3;
	s12 =	sshrl.u32 s11, $0x1;
	s10 =	sadd.s32 s10, s6  }
0xb: {  	s29 =	sadd.s32 s7, s3;
	s13 =	sor.u32 s2, s28;
	s7 =	sor.u32 $0x1C01, s30  }
0xc: {  	s9 =	sadd.s32 s9, s6;
	s11 =	ssub.s32 s11, s12;
	s31 =	smul.u32 $0x30D4, s13  }
0xd: {  	s8 =	smul.u32 $0x19, s13;
	s10 =	sadd.s32 s14, s10;
	s12 =	sshrl.u32 s29, $0x3  }
0xe: {  	s13 =	simm.s32 $0x14080;
	s14 =	simm.s32 $0x1;
	s6 =	sadd.s32 $0xC6200, s9  }
0xf: {  	s10 =	sadd.s32 $0xDEA00, s10;
	s11 =	smax.u32 s11, $0x1;
	s9 =	sadd.s32 s5, s31  }
.LBB2_1:
0x10: {  	[spmem:s12], [sflag:s7] =	dma.local [hbm:s6], $0x1870  }
0x11: {  	s20 =	simm.s32 $0x1;
	_ =	swait.ge [sflag:s14], $0x1870  }
0x12: {  	p0 =	por $0x0, $0x0;
	s22 =	simm.s32 $0x1;
	[sflag:s14] =	ssyncset.done $0x0  }
0x13: {  	s31 =	sand.u32 $0x1, s4;
	s20 =	simm.s32 @p0 $0x0;
	[sflag:s14] =	ssyncadd.s32 $0xFFFFE790  }
0x14: {  	[tilespmem:s4], [sflag:$0x1] =	stream.linear.gather [hbm4b:s1+s4], $0x7D00, $0x38;
	[tilespmem:$0x15FC0] =	vst v63  }
0x15: {  	s24 =	sadd.s32 $0x1, s31;
	p0 =	seq.s32 s20, $0x0;
	_ =	swait.ge [sflag:s14], $0x7D00  }
0x16: {  	p1 =	sne.s32 s20, $0x0;
	s18 =	sadd.s32 @!p0 s8, s20;
	[sflag:s14] =	ssyncset.done $0x0  }
0x17: {  	s19 =	sand.u32 @!p0 $0x1, s14;
	s23 =	simm.s32 @!p0 $0x0;
	[sflag:s14] =	ssyncadd.s32 $0xFFFF8300  }
0x18: {  	s22 =	simm.s32 @!p1 $0x0;
	s18 =	smul.u32 @!p0 $0xFA0, s18;
	[bflag:$0x0] =	sbarrier.arrive $0xFFFF  }
0x19: {  	s21 =	smul.u32 @!p0 $0x3E80, s19;
	s19 =	sadd.s32 @!p0 $0x1, s19;
	_ =	strace $0x80000048  }
0x1a: {  	[tilespmem:s13], [sflag:$0x1] =	stream.linear.gather [hbm4b:s9+s4], $0xFA0, $0x200038;
	[tilespmem:$0x15FC0] =	vst v63  }
0x1b: {  	s18 =	sshrl.u32 @!p0 s18, $0x3;
	s21 =	sshrl.u32 @!p0 s21, $0x2;
	_ =	strace $0x90000048  }
0x1c: {  	s18 =	sadd.s32 @!p0 s5, s18;
	s21 =	sadd.s32 @!p0 $0x14080, s21;
	_ =	strace @!p0 $0x80000049  }
0x1d: {  	[tilespmem:s21], [sflag:s19] =	stream.linear.gather @!p0 [hbm4b:s18+s23], $0xFA0, $0x200038;
	[tilespmem:$0x15FC0] =	vst v63  }
0x1e: {  	s19 =	simm.s32 $0x16;
	s23 =	simm.s32 $0x15020;
	s21 =	sadd.s32 $0x1, s20  }
0x1f: {  	s18 =	sadd.s32 $0x0, s22;
	_ =	strace @!p0 $0x90000049;
	p0 =	seq.s32 s31, $0x1  }
0x20: {  	_ =	strace $0x8000004A;
	s23 =	simm.s32 @!p0 $0x14080;
	p0 =	seq.s32 s21, $0x19  }
0x21: {  	s22 =	sadd.s32 $0x1, s22;
	_ =	swait.ge [sflag:s24], $0xFA0;
	s21 =	simm.s32 @p0 $0x0  }
0x22: {  	[sflag:s24] =	ssyncset.done $0x0;
	p0 =	seq.s32 s20, s21;
	p1 =	sne.s32 s20, s21  }
0x23: {  	s20 =	simm.s32 $0x1;
	[sflag:s24] =	ssyncadd.s32 $0xFFFFF060;
	s25 =	sand.u32 @!p0 $0x1, s22  }
0x24: {  	s26 =	sadd.s32 @!p0 s8, s21;
	s20 =	simm.s32 @!p1 $0x0;
	_ =	strace $0x9000004A  }
0x25: {  	s24 =	sadd.s32 @!p0 $0x1, s25;
	s26 =	smul.u32 @!p0 $0xFA0, s26;
	_ =	strace $0x8000004B  }
.LBB2_2:
0x26: {  	[spmem:s3] =	stream.indirect.scatter.add.f32 [tilespmem:s4], [sflag:$0x3], $0x8, s23, s15, $0x2000b8;
	[tilespmem:$0x15FC0] =	vst v63  }
0x27: {  	s23 =	smul.u32 @!p0 $0x3E80, s25;
	s25 =	sand.u32 $0x1, s18  }
0x28: {  	s26 =	sshrl.u32 @!p0 s26, $0x3;
	s19 =	sadd.s32 $0xFFFFFFFF, s19;
	_ =	swait.ge [sflag:s16], $0x7D00  }
0x29: {  	s28 =	simm.s32 @!p0 $0x0;
	p2 =	seq.s32 s25, $0x1;
	[sflag:s16] =	ssyncset.done $0x0  }
0x2a: {  	s26 =	sadd.s32 @!p0 s5, s26;
	s23 =	sshrl.u32 @!p0 s23, $0x2;
	[sflag:s16] =	ssyncadd.s32 $0xFFFF8300  }
0x2b: {  	s18 =	sadd.s32 s20, s18;
	s23 =	sadd.s32 @!p0 $0x14080, s23;
	_ =	strace $0x9000004B  }
0x2c: {  	p1 =	sne.s32 s19, $0x0;
	s25 =	sadd.s32 $0x1, s25;
	_ =	strace @!p0 $0x80000049  }
0x2d: {  	[tilespmem:s23], [sflag:s24] =	stream.linear.gather @!p0 [hbm4b:s26+s28], $0xFA0, $0x200038;
	[tilespmem:$0x15FC0] =	vst v63  }
0x2e: {  	s24 =	smov.u32 s21;
	s23 =	simm.s32 $0x15020;
	_ =	strace @!p0 $0x90000049  }
0x2f: {  	s21 =	sadd.s32 $0x1, s21;
	s23 =	simm.s32 @!p2 $0x14080;
	_ =	strace $0x8000004A  }
0x30: {  	s22 =	sadd.s32 s20, s22;
	p0 =	seq.s32 s21, $0x19;
	_ =	swait.ge [sflag:s25], $0xFA0  }
.Ltmp0:
0x31: {  	s21 =	simm.s32 @p0 $0x0;
	[sflag:s25] =	ssyncset.done $0x0;
	(pc) =	sbr.rel @p1 .LBB2_2-.Ltmp0, $4  }
0x32: {  	p0 =	seq.s32 s24, s21;
	p2 =	sne.s32 s24, s21;
	[sflag:s25] =	ssyncadd.s32 $0xFFFFF060  }
0x33: {  	s20 =	sadd.s32 @!p0 s8, s21;
	s25 =	sand.u32 @!p0 $0x1, s22;
	_ =	strace $0x9000004A  }
0x34: {  	s26 =	smul.u32 @!p0 $0xFA0, s20;
	s20 =	simm.s32 $0x1;
	_ =	strace $0x8000004B  }
0x35: {  	s24 =	sadd.s32 @!p0 $0x1, s25;
	s20 =	simm.s32 @!p2 $0x0  }
0x36: {  	[spmem:s3] =	stream.indirect.scatter.add.f32 [tilespmem:s4], [sflag:$0x3], $0x8, s23, s15, $0x2000b8;
	[tilespmem:$0x15FC0] =	vst v63  }
0x37: {  	_ =	swait.ge [sflag:s16], $0x7D00  }
0x38: {  	s19 =	smul.u32 @!p0 $0x3E80, s25;
	[sflag:s16] =	ssyncset.done $0x0  }
0x39: {  	s21 =	sshrl.u32 @!p0 s26, $0x3;
	[sflag:s16] =	ssyncadd.s32 $0xFFFF8300  }
0x3a: {  	s22 =	simm.s32 @!p0 $0x0;
	s19 =	sshrl.u32 @!p0 s19, $0x2;
	_ =	strace $0x9000004B  }
0x3b: {  	s21 =	sadd.s32 @!p0 s5, s21;
	s19 =	sadd.s32 @!p0 $0x14080, s19;
	_ =	strace @!p0 $0x80000049  }
0x3c: {  	[tilespmem:s19], [sflag:s24] =	stream.linear.gather @!p0 [hbm4b:s21+s22], $0xFA0, $0x200038;
	[tilespmem:$0x15FC0] =	vst v63  }
0x3d: {  	s28 =	sand.u32 $0x1, s18;
	_ =	strace @!p0 $0x90000049  }
0x3e: {  	s29 =	sadd.s32 $0x1, s28;
	_ =	strace $0x8000004A  }
0x3f: {  	_ =	swait.ge [sflag:s29], $0xFA0  }
0x40: {  	[sflag:s29] =	ssyncset.done $0x0  }
0x41: {  	[sflag:s29] =	ssyncadd.s32 $0xFFFFF060  }
0x42: {  	s19 =	simm.s32 $0x15020;
	p0 =	seq.s32 s28, $0x1;
	_ =	strace $0x9000004A  }
0x43: {  	s19 =	simm.s32 @!p0 $0x14080;
	_ =	strace $0x8000004B  }
0x44: {  	[spmem:s3] =	stream.indirect.scatter.add.f32 [tilespmem:s4], [sflag:$0x3], $0x8, s19, s15, $0x2000b8;
	[tilespmem:$0x15FC0] =	vst v63  }
0x45: {  	_ =	swait.ge [sflag:s16], $0x7D00  }
0x46: {  	[sflag:s16] =	ssyncset.done $0x0  }
0x47: {  	s30 =	sadd.s32 s20, s18;
	[sflag:s16] =	ssyncadd.s32 $0xFFFF8300  }
0x48: {  	s18 =	sand.u32 $0x1, s30;
	_ =	strace $0x9000004B  }
0x49: {  	s31 =	sadd.s32 $0x1, s18;
	_ =	strace $0x8000004A  }
0x4a: {  	_ =	swait.ge [sflag:s31], $0xFA0  }
0x4b: {  	[sflag:s31] =	ssyncset.done $0x0  }
0x4c: {  	[sflag:s31] =	ssyncadd.s32 $0xFFFFF060  }
0x4d: {  	p0 =	seq.s32 s18, $0x1;
	s18 =	simm.s32 $0x15020;
	_ =	strace $0x9000004A  }
0x4e: {  	s18 =	simm.s32 @!p0 $0x14080;
	_ =	strace $0x8000004B  }
0x4f: {  	[spmem:s3] =	stream.indirect.scatter.add.f32 [tilespmem:s4], [sflag:$0x3], $0x8, s18, s15, $0x2000b8;
	[tilespmem:$0x15FC0] =	vst v63  }
0x50: {  	_ =	swait.ge [sflag:s16], $0x7D00  }
0x51: {  	[sflag:s16] =	ssyncset.done $0x0  }
0x52: {  	s17 =	sadd.s32 $0x1, s17;
	[sflag:s16] =	ssyncadd.s32 $0xFFFF8300  }
0x53: {  	p0 =	sne.s32 s17, s11;
	_ =	strace $0x9000004B  }
.Ltmp1:
0x54: {  	[bflag:$0x0] =	sbarrier.arrive $0xFFFF;
	(pc) =	sbr.rel @p0 .LBB2_1-.Ltmp1, $4  }
0x55: {  	[hbm:s10], [sflag:s7] =	dma.local [spmem:s12], $0x1870  }
0x56: {  	_ =	swait.ge [sflag:s14], $0x1870  }
0x57: {  	[sflag:s14] =	ssyncset.done $0x0  }
0x58: {  	[sflag:s14] =	ssyncadd.s32 $0xFFFFE790  }
0x59: {  	_ =	sfence.sel $0x180000  }
0x5a: {  	[bflag:$0x0] =	sbarrier.arrive $0xFFFF  }
0x5b: {  	p0 =	sne.s32 s2, $0x0;
	_ =	strace $0x90000047  }
0x5c: {  	s0 =	sadd.s32 @!p0 $0x100000, s0;
	[bflag:$0x2] =	sbarrier.arrive $0xFFFF  }
0x5d: {  	[sflag:s0] =	ssyncadd.tile.s32 @!p0 $0x1;
	_ =	shalt  }
.Lfunc_end2:
_tile_overlayer_lowered:
.L_overlay_start_2:
0x5e: {  	(tag) =	ssettag $0x2  }
0x5f: {  	s0 =	rddreg [dreg:$0x0];
	s2 =	stileid.u32  }
0x60: {  	s1 =	rddreg [dreg:$0x1];
	p0 =	sne.s32 s2, $0x0  }
0x61: {  	s3 =	rddreg [dreg:$0x2];
	[bflag:$0x3] =	sbarrier.arrive $0xFFFF;
	s2 =	simm.s32 @!p0 $0x1C01  }
0x62: {  	[timem:s3], [sflag:s2] =	dma.local @!p0 [hbm:s0], s1  }
0x63: {  	s0 =	simm.s32 @!p0 $0x1  }
0x64: {  	_ =	swait.ge @!p0 [sflag:s0], s1  }
0x65: {  	s1 =	ssub.s32 @!p0 $0x0, s1;
	[sflag:s0] =	ssyncset.done @!p0 $0x0  }
0x66: {  	[sflag:s0] =	ssyncadd.s32 @!p0 s1  }
0x67: {  	[bflag:$0x3] =	sbarrier.arrive $0xFFFF  }
0x68: {  	_ =	shalt  }

</sc_bundles>
